<compile_context>
chip_gen: v7x
topology: tpu7x:2x2x1
jax: 0.10.2.dev20260603
libtpu: 0.0.44.dev20260713+nightly
codegen_flags: <defaults>
</compile_context>

<pallas_src>
import functools

import jax
import jax.numpy as jnp
from jax import lax
from jax.experimental import pallas as pl
from jax.experimental.pallas import tpu as pltpu
from jax.experimental.pallas import tpu_sc as plsc

_D = 128
_CHUNK = 64
_K = 10


@functools.lru_cache(maxsize=None)
def _make_gather(B: int):
    info = plsc.get_sparse_core_info()
    nw = info.num_cores * info.num_subcores
    b_per_w = B // nw
    n_chunks = b_per_w // _CHUNK
    n_groups = n_chunks // _K
    mesh = plsc.VectorSubcoreMesh(core_axis_name="c", subcore_axis_name="s")

    @functools.partial(
        pl.kernel,
        mesh=mesh,
        out_type=jax.ShapeDtypeStruct((B, _D), jnp.float32),
        scratch_types=[
            pltpu.VMEM((n_chunks, _CHUNK), jnp.int32),
        ]
        + [pltpu.VMEM((_CHUNK, _D), jnp.float32) for _ in range(_K)]
        + [pltpu.SemaphoreType.DMA for _ in range(2 * _K)],
    )
    def gather(idx_hbm, table_hbm, out_hbm, idx_v, *bufs_and_sems):
        bufs = bufs_and_sems[:_K]
        gsem = bufs_and_sems[_K : 2 * _K]
        ssem = bufs_and_sems[2 * _K :]
        wid = lax.axis_index("s") * info.num_cores + lax.axis_index("c")
        base = wid * b_per_w
        pltpu.sync_copy(idx_hbm.at[wid], idx_v)

        def start_gather(b, j):
            pltpu.async_copy(table_hbm.at[idx_v.at[j]], bufs[b], gsem[b])

        def wait_gather(b, j):
            pltpu.make_async_copy(table_hbm.at[idx_v.at[j]], bufs[b], gsem[b]).wait()

        def start_store(b, j):
            pltpu.async_copy(
                bufs[b], out_hbm.at[pl.ds(base + j * _CHUNK, _CHUNK)], ssem[b]
            )

        def wait_store(b, j):
            pltpu.make_async_copy(
                bufs[b], out_hbm.at[pl.ds(base + j * _CHUNK, _CHUNK)], ssem[b]
            ).wait()

        for c in range(_K - 2):
            start_gather(c, c)
        for b in range(_K):
            wait_gather(b, b)
            start_store(b, b)
            c = b + _K - 2
            if c < n_chunks:
                if b >= 2:
                    wait_store((b - 2) % _K, b - 2)
                start_gather((b - 2) % _K, c)

        def body(g, carry):
            j0 = g * _K
            for b in range(_K):
                j = j0 + b
                wait_gather(b, j)
                start_store(b, j)
                bc = (b - 2) % _K

                @pl.when(j + _K - 2 < n_chunks)
                def _prefetch():
                    wait_store(bc, j - 2)
                    start_gather(bc, j + _K - 2)

            return carry

        lax.fori_loop(1, n_groups, body, 0)
        for b in range(_K):
            wait_store(b, (n_groups - 1) * _K + b)

    return gather, nw, n_chunks


def kernel(token_ids, weight):
    S, T = token_ids.shape
    B = S * T
    gather, nw, n_chunks = _make_gather(B)
    idx = token_ids.T.reshape(nw, n_chunks, _CHUNK).astype(jnp.int32)
    out = gather(idx, weight)
    return out.reshape(T, S, _D).transpose(1, 0, 2)

# --- scband reference (transcript-rebuilt; emitter-appended) ---
"""Pipeline reference for scband-embedding-21835613733476 (READ-ONLY COPY).

The authoritative reference and input builder live on the scoring server;
editing this copy changes nothing except your own understanding.
"""

import jax, jax.numpy as jnp
import numpy as np

NUM_EMBEDDINGS = 100000
EMBEDDING_DIM = 128


def setup_inputs(seed: int = 0) -> dict:
    key = jax.random.key(seed)
    k_idx, k_w = jax.random.split(key)
    token_ids = jax.random.randint(k_idx, (4096, 50), 0, NUM_EMBEDDINGS, dtype=jnp.int64 if jax.config.jax_enable_x64 else jnp.int32)
    # trunc_normal_(std=1, a=-3, b=3) approximated by truncated normal
    weight = jax.random.truncated_normal(k_w, -3.0, 3.0, (NUM_EMBEDDINGS, EMBEDDING_DIM), dtype=jnp.float32)
    return {"token_ids": token_ids, "weight": weight}


def reference(token_ids, weight):
    # Faithful translation of: return self.weight[token_ids]
    return jnp.take(weight, token_ids, axis=0)

if __name__ == "__main__":
    import jax
    _d = setup_inputs()
    print(jax.jit(kernel)(*tuple(_d.values())))

</pallas_src>

<mosaic_0001>
#map = affine_map<(d0, d1) -> (0, 0, 0)>
#map1 = affine_map<(d0, d1) -> (0, 0)>
module attributes {stable_mosaic.version = 14 : i64} {
  func.func @gather(%arg0: i32, %arg1: i32, %arg2: memref<32x100x64xi32, #tpu.memory_space<hbm>>, %arg3: memref<100000x128xf32, #tpu.memory_space<hbm>>, %arg4: memref<204800x128xf32, #tpu.memory_space<hbm>>, %arg5: memref<100x64xi32, #tpu.memory_space<vmem>>, %arg6: memref<64x128xf32, #tpu.memory_space<vmem>>, %arg7: memref<64x128xf32, #tpu.memory_space<vmem>>, %arg8: memref<64x128xf32, #tpu.memory_space<vmem>>, %arg9: memref<64x128xf32, #tpu.memory_space<vmem>>, %arg10: memref<64x128xf32, #tpu.memory_space<vmem>>, %arg11: memref<64x128xf32, #tpu.memory_space<vmem>>, %arg12: memref<64x128xf32, #tpu.memory_space<vmem>>, %arg13: memref<64x128xf32, #tpu.memory_space<vmem>>, %arg14: memref<64x128xf32, #tpu.memory_space<vmem>>, %arg15: memref<64x128xf32, #tpu.memory_space<vmem>>, %arg16: memref<!tpu.dma_semaphore, #tpu.memory_space<semaphore_mem>>, %arg17: memref<!tpu.dma_semaphore, #tpu.memory_space<semaphore_mem>>, %arg18: memref<!tpu.dma_semaphore, #tpu.memory_space<semaphore_mem>>, %arg19: memref<!tpu.dma_semaphore, #tpu.memory_space<semaphore_mem>>, %arg20: memref<!tpu.dma_semaphore, #tpu.memory_space<semaphore_mem>>, %arg21: memref<!tpu.dma_semaphore, #tpu.memory_space<semaphore_mem>>, %arg22: memref<!tpu.dma_semaphore, #tpu.memory_space<semaphore_mem>>, %arg23: memref<!tpu.dma_semaphore, #tpu.memory_space<semaphore_mem>>, %arg24: memref<!tpu.dma_semaphore, #tpu.memory_space<semaphore_mem>>, %arg25: memref<!tpu.dma_semaphore, #tpu.memory_space<semaphore_mem>>, %arg26: memref<!tpu.dma_semaphore, #tpu.memory_space<semaphore_mem>>, %arg27: memref<!tpu.dma_semaphore, #tpu.memory_space<semaphore_mem>>, %arg28: memref<!tpu.dma_semaphore, #tpu.memory_space<semaphore_mem>>, %arg29: memref<!tpu.dma_semaphore, #tpu.memory_space<semaphore_mem>>, %arg30: memref<!tpu.dma_semaphore, #tpu.memory_space<semaphore_mem>>, %arg31: memref<!tpu.dma_semaphore, #tpu.memory_space<semaphore_mem>>, %arg32: memref<!tpu.dma_semaphore, #tpu.memory_space<semaphore_mem>>, %arg33: memref<!tpu.dma_semaphore, #tpu.memory_space<semaphore_mem>>, %arg34: memref<!tpu.dma_semaphore, #tpu.memory_space<semaphore_mem>>, %arg35: memref<!tpu.dma_semaphore, #tpu.memory_space<semaphore_mem>>) attributes {dimension_semantics = [#tpu.dimension_semantics<core_parallel>, #tpu.dimension_semantics<subcore_parallel>], iteration_bounds = array<i64: 2, 16>, scalar_prefetch = 0 : i64, scratch_operands = 31 : i64, tpu.core_type = #tpu.core_type<sc_vector_subcore>, window_params = [{transform_indices = #map}, {transform_indices = #map1}, {transform_indices = #map1}]} {
    %mul3A = arith.constant 2 : i32
    %mul3A_0 = arith.muli %arg1, %mul3A : i32
    %add3A = arith.addi %mul3A_0, %arg0 : i32
    %mul3A_1 = arith.constant 6400 : i32
    %mul3A_2 = arith.muli %add3A, %mul3A_1 : i32
    "tpu.region"() ({
      %run_scoped3A = tpu.sem_alloc : memref<!tpu.dma_semaphore, #tpu.memory_space<semaphore_mem>>
      %dma_start3A_370 = arith.constant 0 : i32
      %dma_start3A_371 = arith.constant 0 : i32
      %dma_start3A_372 = tpu.memref_slice %arg2[%add3A, %dma_start3A_370, %dma_start3A_371] : memref<32x100x64xi32, #tpu.memory_space<hbm>> -> memref<1x100x64xi32, #tpu.memory_space<hbm>>
      %dma_start3A_373 = tpu.memref_squeeze %dma_start3A_372 : memref<1x100x64xi32, #tpu.memory_space<hbm>> -> memref<100x64xi32, #tpu.memory_space<hbm>>
      %dma_start3A_374 = arith.constant 0 : i32
      %dma_start3A_375 = arith.constant 0 : i32
      %dma_start3A_376 = tpu.memref_slice %arg2[%add3A, %dma_start3A_374, %dma_start3A_375] : memref<32x100x64xi32, #tpu.memory_space<hbm>> -> memref<1x100x64xi32, #tpu.memory_space<hbm>>
      %dma_start3A_377 = tpu.memref_squeeze %dma_start3A_376 : memref<1x100x64xi32, #tpu.memory_space<hbm>> -> memref<100x64xi32, #tpu.memory_space<hbm>>
      tpu.enqueue_dma source(%dma_start3A_377 : memref<100x64xi32, #tpu.memory_space<hbm>>) target(%arg5 : memref<100x64xi32, #tpu.memory_space<vmem>>) target_semaphore(%run_scoped3A : memref<!tpu.dma_semaphore, #tpu.memory_space<semaphore_mem>>)
      %dma_wait3A_378 = arith.constant 0 : i32
      %dma_wait3A_379 = arith.constant 0 : i32
      %dma_wait3A_380 = tpu.memref_slice %arg2[%add3A, %dma_wait3A_378, %dma_wait3A_379] : memref<32x100x64xi32, #tpu.memory_space<hbm>> -> memref<1x100x64xi32, #tpu.memory_space<hbm>>
      %dma_wait3A_381 = tpu.memref_squeeze %dma_wait3A_380 : memref<1x100x64xi32, #tpu.memory_space<hbm>> -> memref<100x64xi32, #tpu.memory_space<hbm>>
      %dma_wait3A_382 = arith.constant 0 : i32
      %dma_wait3A_383 = arith.constant 0 : i32
      %dma_wait3A_384 = tpu.memref_slice %arg2[%add3A, %dma_wait3A_382, %dma_wait3A_383] : memref<32x100x64xi32, #tpu.memory_space<hbm>> -> memref<1x100x64xi32, #tpu.memory_space<hbm>>
      %dma_wait3A_385 = tpu.memref_squeeze %dma_wait3A_384 : memref<1x100x64xi32, #tpu.memory_space<hbm>> -> memref<100x64xi32, #tpu.memory_space<hbm>>
      tpu.wait_dma2 semaphore(%run_scoped3A : memref<!tpu.dma_semaphore, #tpu.memory_space<semaphore_mem>>) src(%dma_wait3A_385 : memref<100x64xi32, #tpu.memory_space<hbm>>) dst(%arg5 : memref<100x64xi32, #tpu.memory_space<vmem>>)
      tpu.yield
    }) : () -> ()
    %dma_start3A = arith.constant 0 : i32
    %dma_start3A_3 = arith.constant 0 : i32
    %dma_start3A_4 = tpu.memref_slice %arg5[%dma_start3A, %dma_start3A_3] : memref<100x64xi32, #tpu.memory_space<vmem>> -> memref<1x64xi32, #tpu.memory_space<vmem>>
    %dma_start3A_5 = tpu.memref_squeeze %dma_start3A_4 : memref<1x64xi32, #tpu.memory_space<vmem>> -> memref<64xi32, #tpu.memory_space<vmem>>
    %dma_start3A_6 = arith.constant 0 : i32
    %dma_start3A_7 = arith.constant 0 : i32
    %dma_start3A_8 = tpu.memref_slice %arg3[%dma_start3A_6, %dma_start3A_7] : memref<100000x128xf32, #tpu.memory_space<hbm>> -> memref<100000x128xf32, #tpu.memory_space<hbm>>
    tpu.enqueue_indirect_dma source(%dma_start3A_8 : memref<100000x128xf32, #tpu.memory_space<hbm>>) target(%arg6 : memref<64x128xf32, #tpu.memory_space<vmem>>) offsets(%dma_start3A_5 : memref<64xi32, #tpu.memory_space<vmem>>) semaphore(%arg16 : memref<!tpu.dma_semaphore, #tpu.memory_space<semaphore_mem>>)
    %dma_start3A_9 = arith.constant 1 : i32
    %dma_start3A_10 = arith.constant 0 : i32
    %dma_start3A_11 = tpu.memref_slice %arg5[%dma_start3A_9, %dma_start3A_10] : memref<100x64xi32, #tpu.memory_space<vmem>> -> memref<1x64xi32, #tpu.memory_space<vmem>>
    %dma_start3A_12 = tpu.memref_squeeze %dma_start3A_11 : memref<1x64xi32, #tpu.memory_space<vmem>> -> memref<64xi32, #tpu.memory_space<vmem>>
    %dma_start3A_13 = arith.constant 0 : i32
    %dma_start3A_14 = arith.constant 0 : i32
    %dma_start3A_15 = tpu.memref_slice %arg3[%dma_start3A_13, %dma_start3A_14] : memref<100000x128xf32, #tpu.memory_space<hbm>> -> memref<100000x128xf32, #tpu.memory_space<hbm>>
    tpu.enqueue_indirect_dma source(%dma_start3A_15 : memref<100000x128xf32, #tpu.memory_space<hbm>>) target(%arg7 : memref<64x128xf32, #tpu.memory_space<vmem>>) offsets(%dma_start3A_12 : memref<64xi32, #tpu.memory_space<vmem>>) semaphore(%arg17 : memref<!tpu.dma_semaphore, #tpu.memory_space<semaphore_mem>>)
    %dma_start3A_16 = arith.constant 2 : i32
    %dma_start3A_17 = arith.constant 0 : i32
    %dma_start3A_18 = tpu.memref_slice %arg5[%dma_start3A_16, %dma_start3A_17] : memref<100x64xi32, #tpu.memory_space<vmem>> -> memref<1x64xi32, #tpu.memory_space<vmem>>
    %dma_start3A_19 = tpu.memref_squeeze %dma_start3A_18 : memref<1x64xi32, #tpu.memory_space<vmem>> -> memref<64xi32, #tpu.memory_space<vmem>>
    %dma_start3A_20 = arith.constant 0 : i32
    %dma_start3A_21 = arith.constant 0 : i32
    %dma_start3A_22 = tpu.memref_slice %arg3[%dma_start3A_20, %dma_start3A_21] : memref<100000x128xf32, #tpu.memory_space<hbm>> -> memref<100000x128xf32, #tpu.memory_space<hbm>>
    tpu.enqueue_indirect_dma source(%dma_start3A_22 : memref<100000x128xf32, #tpu.memory_space<hbm>>) target(%arg8 : memref<64x128xf32, #tpu.memory_space<vmem>>) offsets(%dma_start3A_19 : memref<64xi32, #tpu.memory_space<vmem>>) semaphore(%arg18 : memref<!tpu.dma_semaphore, #tpu.memory_space<semaphore_mem>>)
    %dma_start3A_23 = arith.constant 3 : i32
    %dma_start3A_24 = arith.constant 0 : i32
    %dma_start3A_25 = tpu.memref_slice %arg5[%dma_start3A_23, %dma_start3A_24] : memref<100x64xi32, #tpu.memory_space<vmem>> -> memref<1x64xi32, #tpu.memory_space<vmem>>
    %dma_start3A_26 = tpu.memref_squeeze %dma_start3A_25 : memref<1x64xi32, #tpu.memory_space<vmem>> -> memref<64xi32, #tpu.memory_space<vmem>>
    %dma_start3A_27 = arith.constant 0 : i32
    %dma_start3A_28 = arith.constant 0 : i32
    %dma_start3A_29 = tpu.memref_slice %arg3[%dma_start3A_27, %dma_start3A_28] : memref<100000x128xf32, #tpu.memory_space<hbm>> -> memref<100000x128xf32, #tpu.memory_space<hbm>>
    tpu.enqueue_indirect_dma source(%dma_start3A_29 : memref<100000x128xf32, #tpu.memory_space<hbm>>) target(%arg9 : memref<64x128xf32, #tpu.memory_space<vmem>>) offsets(%dma_start3A_26 : memref<64xi32, #tpu.memory_space<vmem>>) semaphore(%arg19 : memref<!tpu.dma_semaphore, #tpu.memory_space<semaphore_mem>>)
    %dma_start3A_30 = arith.constant 4 : i32
    %dma_start3A_31 = arith.constant 0 : i32
    %dma_start3A_32 = tpu.memref_slice %arg5[%dma_start3A_30, %dma_start3A_31] : memref<100x64xi32, #tpu.memory_space<vmem>> -> memref<1x64xi32, #tpu.memory_space<vmem>>
    %dma_start3A_33 = tpu.memref_squeeze %dma_start3A_32 : memref<1x64xi32, #tpu.memory_space<vmem>> -> memref<64xi32, #tpu.memory_space<vmem>>
    %dma_start3A_34 = arith.constant 0 : i32
    %dma_start3A_35 = arith.constant 0 : i32
    %dma_start3A_36 = tpu.memref_slice %arg3[%dma_start3A_34, %dma_start3A_35] : memref<100000x128xf32, #tpu.memory_space<hbm>> -> memref<100000x128xf32, #tpu.memory_space<hbm>>
    tpu.enqueue_indirect_dma source(%dma_start3A_36 : memref<100000x128xf32, #tpu.memory_space<hbm>>) target(%arg10 : memref<64x128xf32, #tpu.memory_space<vmem>>) offsets(%dma_start3A_33 : memref<64xi32, #tpu.memory_space<vmem>>) semaphore(%arg20 : memref<!tpu.dma_semaphore, #tpu.memory_space<semaphore_mem>>)
    %dma_start3A_37 = arith.constant 5 : i32
    %dma_start3A_38 = arith.constant 0 : i32
    %dma_start3A_39 = tpu.memref_slice %arg5[%dma_start3A_37, %dma_start3A_38] : memref<100x64xi32, #tpu.memory_space<vmem>> -> memref<1x64xi32, #tpu.memory_space<vmem>>
    %dma_start3A_40 = tpu.memref_squeeze %dma_start3A_39 : memref<1x64xi32, #tpu.memory_space<vmem>> -> memref<64xi32, #tpu.memory_space<vmem>>
    %dma_start3A_41 = arith.constant 0 : i32
    %dma_start3A_42 = arith.constant 0 : i32
    %dma_start3A_43 = tpu.memref_slice %arg3[%dma_start3A_41, %dma_start3A_42] : memref<100000x128xf32, #tpu.memory_space<hbm>> -> memref<100000x128xf32, #tpu.memory_space<hbm>>
    tpu.enqueue_indirect_dma source(%dma_start3A_43 : memref<100000x128xf32, #tpu.memory_space<hbm>>) target(%arg11 : memref<64x128xf32, #tpu.memory_space<vmem>>) offsets(%dma_start3A_40 : memref<64xi32, #tpu.memory_space<vmem>>) semaphore(%arg21 : memref<!tpu.dma_semaphore, #tpu.memory_space<semaphore_mem>>)
    %dma_start3A_44 = arith.constant 6 : i32
    %dma_start3A_45 = arith.constant 0 : i32
    %dma_start3A_46 = tpu.memref_slice %arg5[%dma_start3A_44, %dma_start3A_45] : memref<100x64xi32, #tpu.memory_space<vmem>> -> memref<1x64xi32, #tpu.memory_space<vmem>>
    %dma_start3A_47 = tpu.memref_squeeze %dma_start3A_46 : memref<1x64xi32, #tpu.memory_space<vmem>> -> memref<64xi32, #tpu.memory_space<vmem>>
    %dma_start3A_48 = arith.constant 0 : i32
    %dma_start3A_49 = arith.constant 0 : i32
    %dma_start3A_50 = tpu.memref_slice %arg3[%dma_start3A_48, %dma_start3A_49] : memref<100000x128xf32, #tpu.memory_space<hbm>> -> memref<100000x128xf32, #tpu.memory_space<hbm>>
    tpu.enqueue_indirect_dma source(%dma_start3A_50 : memref<100000x128xf32, #tpu.memory_space<hbm>>) target(%arg12 : memref<64x128xf32, #tpu.memory_space<vmem>>) offsets(%dma_start3A_47 : memref<64xi32, #tpu.memory_space<vmem>>) semaphore(%arg22 : memref<!tpu.dma_semaphore, #tpu.memory_space<semaphore_mem>>)
    %dma_start3A_51 = arith.constant 7 : i32
    %dma_start3A_52 = arith.constant 0 : i32
    %dma_start3A_53 = tpu.memref_slice %arg5[%dma_start3A_51, %dma_start3A_52] : memref<100x64xi32, #tpu.memory_space<vmem>> -> memref<1x64xi32, #tpu.memory_space<vmem>>
    %dma_start3A_54 = tpu.memref_squeeze %dma_start3A_53 : memref<1x64xi32, #tpu.memory_space<vmem>> -> memref<64xi32, #tpu.memory_space<vmem>>
    %dma_start3A_55 = arith.constant 0 : i32
    %dma_start3A_56 = arith.constant 0 : i32
    %dma_start3A_57 = tpu.memref_slice %arg3[%dma_start3A_55, %dma_start3A_56] : memref<100000x128xf32, #tpu.memory_space<hbm>> -> memref<100000x128xf32, #tpu.memory_space<hbm>>
    tpu.enqueue_indirect_dma source(%dma_start3A_57 : memref<100000x128xf32, #tpu.memory_space<hbm>>) target(%arg13 : memref<64x128xf32, #tpu.memory_space<vmem>>) offsets(%dma_start3A_54 : memref<64xi32, #tpu.memory_space<vmem>>) semaphore(%arg23 : memref<!tpu.dma_semaphore, #tpu.memory_space<semaphore_mem>>)
    %dma_wait3A = arith.constant 0 : i32
    %dma_wait3A_58 = arith.constant 0 : i32
    %dma_wait3A_59 = tpu.memref_slice %arg5[%dma_wait3A, %dma_wait3A_58] : memref<100x64xi32, #tpu.memory_space<vmem>> -> memref<1x64xi32, #tpu.memory_space<vmem>>
    %dma_wait3A_60 = tpu.memref_squeeze %dma_wait3A_59 : memref<1x64xi32, #tpu.memory_space<vmem>> -> memref<64xi32, #tpu.memory_space<vmem>>
    %dma_wait3A_61 = arith.constant 0 : i32
    %dma_wait3A_62 = arith.constant 0 : i32
    %dma_wait3A_63 = tpu.memref_slice %arg3[%dma_wait3A_61, %dma_wait3A_62] : memref<100000x128xf32, #tpu.memory_space<hbm>> -> memref<100000x128xf32, #tpu.memory_space<hbm>>
    tpu.wait_indirect_dma semaphore(%arg16 : memref<!tpu.dma_semaphore, #tpu.memory_space<semaphore_mem>>) src(%dma_wait3A_63 : memref<100000x128xf32, #tpu.memory_space<hbm>>) dst(%arg6 : memref<64x128xf32, #tpu.memory_space<vmem>>)
    %add3A_64 = arith.constant 0 : i32
    %add3A_65 = arith.addi %mul3A_2, %add3A_64 : i32
    %dma_start3A_66 = arith.constant 0 : i32
    %dma_start3A_67 = tpu.memref_slice %arg4[%add3A_65, %dma_start3A_66] : memref<204800x128xf32, #tpu.memory_space<hbm>> -> memref<64x128xf32, #tpu.memory_space<hbm>>
    %dma_start3A_68 = arith.constant 0 : i32
    %dma_start3A_69 = tpu.memref_slice %arg4[%add3A_65, %dma_start3A_68] : memref<204800x128xf32, #tpu.memory_space<hbm>> -> memref<64x128xf32, #tpu.memory_space<hbm>>
    tpu.enqueue_dma source(%arg6 : memref<64x128xf32, #tpu.memory_space<vmem>>) target(%dma_start3A_69 : memref<64x128xf32, #tpu.memory_space<hbm>>) target_semaphore(%arg26 : memref<!tpu.dma_semaphore, #tpu.memory_space<semaphore_mem>>)
    %dma_start3A_70 = arith.constant 8 : i32
    %dma_start3A_71 = arith.constant 0 : i32
    %dma_start3A_72 = tpu.memref_slice %arg5[%dma_start3A_70, %dma_start3A_71] : memref<100x64xi32, #tpu.memory_space<vmem>> -> memref<1x64xi32, #tpu.memory_space<vmem>>
    %dma_start3A_73 = tpu.memref_squeeze %dma_start3A_72 : memref<1x64xi32, #tpu.memory_space<vmem>> -> memref<64xi32, #tpu.memory_space<vmem>>
    %dma_start3A_74 = arith.constant 0 : i32
    %dma_start3A_75 = arith.constant 0 : i32
    %dma_start3A_76 = tpu.memref_slice %arg3[%dma_start3A_74, %dma_start3A_75] : memref<100000x128xf32, #tpu.memory_space<hbm>> -> memref<100000x128xf32, #tpu.memory_space<hbm>>
    tpu.enqueue_indirect_dma source(%dma_start3A_76 : memref<100000x128xf32, #tpu.memory_space<hbm>>) target(%arg14 : memref<64x128xf32, #tpu.memory_space<vmem>>) offsets(%dma_start3A_73 : memref<64xi32, #tpu.memory_space<vmem>>) semaphore(%arg24 : memref<!tpu.dma_semaphore, #tpu.memory_space<semaphore_mem>>)
    %dma_wait3A_77 = arith.constant 1 : i32
    %dma_wait3A_78 = arith.constant 0 : i32
    %dma_wait3A_79 = tpu.memref_slice %arg5[%dma_wait3A_77, %dma_wait3A_78] : memref<100x64xi32, #tpu.memory_space<vmem>> -> memref<1x64xi32, #tpu.memory_space<vmem>>
    %dma_wait3A_80 = tpu.memref_squeeze %dma_wait3A_79 : memref<1x64xi32, #tpu.memory_space<vmem>> -> memref<64xi32, #tpu.memory_space<vmem>>
    %dma_wait3A_81 = arith.constant 0 : i32
    %dma_wait3A_82 = arith.constant 0 : i32
    %dma_wait3A_83 = tpu.memref_slice %arg3[%dma_wait3A_81, %dma_wait3A_82] : memref<100000x128xf32, #tpu.memory_space<hbm>> -> memref<100000x128xf32, #tpu.memory_space<hbm>>
    tpu.wait_indirect_dma semaphore(%arg17 : memref<!tpu.dma_semaphore, #tpu.memory_space<semaphore_mem>>) src(%dma_wait3A_83 : memref<100000x128xf32, #tpu.memory_space<hbm>>) dst(%arg7 : memref<64x128xf32, #tpu.memory_space<vmem>>)
    %add3A_84 = arith.constant 64 : i32
    %add3A_85 = arith.addi %mul3A_2, %add3A_84 : i32
    %dma_start3A_86 = arith.constant 0 : i32
    %dma_start3A_87 = tpu.memref_slice %arg4[%add3A_85, %dma_start3A_86] : memref<204800x128xf32, #tpu.memory_space<hbm>> -> memref<64x128xf32, #tpu.memory_space<hbm>>
    %dma_start3A_88 = arith.constant 0 : i32
    %dma_start3A_89 = tpu.memref_slice %arg4[%add3A_85, %dma_start3A_88] : memref<204800x128xf32, #tpu.memory_space<hbm>> -> memref<64x128xf32, #tpu.memory_space<hbm>>
    tpu.enqueue_dma source(%arg7 : memref<64x128xf32, #tpu.memory_space<vmem>>) target(%dma_start3A_89 : memref<64x128xf32, #tpu.memory_space<hbm>>) target_semaphore(%arg27 : memref<!tpu.dma_semaphore, #tpu.memory_space<semaphore_mem>>)
    %dma_start3A_90 = arith.constant 9 : i32
    %dma_start3A_91 = arith.constant 0 : i32
    %dma_start3A_92 = tpu.memref_slice %arg5[%dma_start3A_90, %dma_start3A_91] : memref<100x64xi32, #tpu.memory_space<vmem>> -> memref<1x64xi32, #tpu.memory_space<vmem>>
    %dma_start3A_93 = tpu.memref_squeeze %dma_start3A_92 : memref<1x64xi32, #tpu.memory_space<vmem>> -> memref<64xi32, #tpu.memory_space<vmem>>
    %dma_start3A_94 = arith.constant 0 : i32
    %dma_start3A_95 = arith.constant 0 : i32
    %dma_start3A_96 = tpu.memref_slice %arg3[%dma_start3A_94, %dma_start3A_95] : memref<100000x128xf32, #tpu.memory_space<hbm>> -> memref<100000x128xf32, #tpu.memory_space<hbm>>
    tpu.enqueue_indirect_dma source(%dma_start3A_96 : memref<100000x128xf32, #tpu.memory_space<hbm>>) target(%arg15 : memref<64x128xf32, #tpu.memory_space<vmem>>) offsets(%dma_start3A_93 : memref<64xi32, #tpu.memory_space<vmem>>) semaphore(%arg25 : memref<!tpu.dma_semaphore, #tpu.memory_space<semaphore_mem>>)
    %dma_wait3A_97 = arith.constant 2 : i32
    %dma_wait3A_98 = arith.constant 0 : i32
    %dma_wait3A_99 = tpu.memref_slice %arg5[%dma_wait3A_97, %dma_wait3A_98] : memref<100x64xi32, #tpu.memory_space<vmem>> -> memref<1x64xi32, #tpu.memory_space<vmem>>
    %dma_wait3A_100 = tpu.memref_squeeze %dma_wait3A_99 : memref<1x64xi32, #tpu.memory_space<vmem>> -> memref<64xi32, #tpu.memory_space<vmem>>
    %dma_wait3A_101 = arith.constant 0 : i32
    %dma_wait3A_102 = arith.constant 0 : i32
    %dma_wait3A_103 = tpu.memref_slice %arg3[%dma_wait3A_101, %dma_wait3A_102] : memref<100000x128xf32, #tpu.memory_space<hbm>> -> memref<100000x128xf32, #tpu.memory_space<hbm>>
    tpu.wait_indirect_dma semaphore(%arg18 : memref<!tpu.dma_semaphore, #tpu.memory_space<semaphore_mem>>) src(%dma_wait3A_103 : memref<100000x128xf32, #tpu.memory_space<hbm>>) dst(%arg8 : memref<64x128xf32, #tpu.memory_space<vmem>>)
    %add3A_104 = arith.constant 128 : i32
    %add3A_105 = arith.addi %mul3A_2, %add3A_104 : i32
    %dma_start3A_106 = arith.constant 0 : i32
    %dma_start3A_107 = tpu.memref_slice %arg4[%add3A_105, %dma_start3A_106] : memref<204800x128xf32, #tpu.memory_space<hbm>> -> memref<64x128xf32, #tpu.memory_space<hbm>>
    %dma_start3A_108 = arith.constant 0 : i32
    %dma_start3A_109 = tpu.memref_slice %arg4[%add3A_105, %dma_start3A_108] : memref<204800x128xf32, #tpu.memory_space<hbm>> -> memref<64x128xf32, #tpu.memory_space<hbm>>
    tpu.enqueue_dma source(%arg8 : memref<64x128xf32, #tpu.memory_space<vmem>>) target(%dma_start3A_109 : memref<64x128xf32, #tpu.memory_space<hbm>>) target_semaphore(%arg28 : memref<!tpu.dma_semaphore, #tpu.memory_space<semaphore_mem>>)
    %add3A_110 = arith.constant 0 : i32
    %add3A_111 = arith.addi %mul3A_2, %add3A_110 : i32
    %dma_wait3A_112 = arith.constant 0 : i32
    %dma_wait3A_113 = tpu.memref_slice %arg4[%add3A_111, %dma_wait3A_112] : memref<204800x128xf32, #tpu.memory_space<hbm>> -> memref<64x128xf32, #tpu.memory_space<hbm>>
    %dma_wait3A_114 = arith.constant 0 : i32
    %dma_wait3A_115 = tpu.memref_slice %arg4[%add3A_111, %dma_wait3A_114] : memref<204800x128xf32, #tpu.memory_space<hbm>> -> memref<64x128xf32, #tpu.memory_space<hbm>>
    tpu.wait_dma2 semaphore(%arg26 : memref<!tpu.dma_semaphore, #tpu.memory_space<semaphore_mem>>) src(%arg6 : memref<64x128xf32, #tpu.memory_space<vmem>>) dst(%dma_wait3A_115 : memref<64x128xf32, #tpu.memory_space<hbm>>)
    %dma_start3A_116 = arith.constant 10 : i32
    %dma_start3A_117 = arith.constant 0 : i32
    %dma_start3A_118 = tpu.memref_slice %arg5[%dma_start3A_116, %dma_start3A_117] : memref<100x64xi32, #tpu.memory_space<vmem>> -> memref<1x64xi32, #tpu.memory_space<vmem>>
    %dma_start3A_119 = tpu.memref_squeeze %dma_start3A_118 : memref<1x64xi32, #tpu.memory_space<vmem>> -> memref<64xi32, #tpu.memory_space<vmem>>
    %dma_start3A_120 = arith.constant 0 : i32
    %dma_start3A_121 = arith.constant 0 : i32
    %dma_start3A_122 = tpu.memref_slice %arg3[%dma_start3A_120, %dma_start3A_121] : memref<100000x128xf32, #tpu.memory_space<hbm>> -> memref<100000x128xf32, #tpu.memory_space<hbm>>
    tpu.enqueue_indirect_dma source(%dma_start3A_122 : memref<100000x128xf32, #tpu.memory_space<hbm>>) target(%arg6 : memref<64x128xf32, #tpu.memory_space<vmem>>) offsets(%dma_start3A_119 : memref<64xi32, #tpu.memory_space<vmem>>) semaphore(%arg16 : memref<!tpu.dma_semaphore, #tpu.memory_space<semaphore_mem>>)
    %dma_wait3A_123 = arith.constant 3 : i32
    %dma_wait3A_124 = arith.constant 0 : i32
    %dma_wait3A_125 = tpu.memref_slice %arg5[%dma_wait3A_123, %dma_wait3A_124] : memref<100x64xi32, #tpu.memory_space<vmem>> -> memref<1x64xi32, #tpu.memory_space<vmem>>
    %dma_wait3A_126 = tpu.memref_squeeze %dma_wait3A_125 : memref<1x64xi32, #tpu.memory_space<vmem>> -> memref<64xi32, #tpu.memory_space<vmem>>
    %dma_wait3A_127 = arith.constant 0 : i32
    %dma_wait3A_128 = arith.constant 0 : i32
    %dma_wait3A_129 = tpu.memref_slice %arg3[%dma_wait3A_127, %dma_wait3A_128] : memref<100000x128xf32, #tpu.memory_space<hbm>> -> memref<100000x128xf32, #tpu.memory_space<hbm>>
    tpu.wait_indirect_dma semaphore(%arg19 : memref<!tpu.dma_semaphore, #tpu.memory_space<semaphore_mem>>) src(%dma_wait3A_129 : memref<100000x128xf32, #tpu.memory_space<hbm>>) dst(%arg9 : memref<64x128xf32, #tpu.memory_space<vmem>>)
    %add3A_130 = arith.constant 192 : i32
    %add3A_131 = arith.addi %mul3A_2, %add3A_130 : i32
    %dma_start3A_132 = arith.constant 0 : i32
    %dma_start3A_133 = tpu.memref_slice %arg4[%add3A_131, %dma_start3A_132] : memref<204800x128xf32, #tpu.memory_space<hbm>> -> memref<64x128xf32, #tpu.memory_space<hbm>>
    %dma_start3A_134 = arith.constant 0 : i32
    %dma_start3A_135 = tpu.memref_slice %arg4[%add3A_131, %dma_start3A_134] : memref<204800x128xf32, #tpu.memory_space<hbm>> -> memref<64x128xf32, #tpu.memory_space<hbm>>
    tpu.enqueue_dma source(%arg9 : memref<64x128xf32, #tpu.memory_space<vmem>>) target(%dma_start3A_135 : memref<64x128xf32, #tpu.memory_space<hbm>>) target_semaphore(%arg29 : memref<!tpu.dma_semaphore, #tpu.memory_space<semaphore_mem>>)
    %add3A_136 = arith.constant 64 : i32
    %add3A_137 = arith.addi %mul3A_2, %add3A_136 : i32
    %dma_wait3A_138 = arith.constant 0 : i32
    %dma_wait3A_139 = tpu.memref_slice %arg4[%add3A_137, %dma_wait3A_138] : memref<204800x128xf32, #tpu.memory_space<hbm>> -> memref<64x128xf32, #tpu.memory_space<hbm>>
    %dma_wait3A_140 = arith.constant 0 : i32
    %dma_wait3A_141 = tpu.memref_slice %arg4[%add3A_137, %dma_wait3A_140] : memref<204800x128xf32, #tpu.memory_space<hbm>> -> memref<64x128xf32, #tpu.memory_space<hbm>>
    tpu.wait_dma2 semaphore(%arg27 : memref<!tpu.dma_semaphore, #tpu.memory_space<semaphore_mem>>) src(%arg7 : memref<64x128xf32, #tpu.memory_space<vmem>>) dst(%dma_wait3A_141 : memref<64x128xf32, #tpu.memory_space<hbm>>)
    %dma_start3A_142 = arith.constant 11 : i32
    %dma_start3A_143 = arith.constant 0 : i32
    %dma_start3A_144 = tpu.memref_slice %arg5[%dma_start3A_142, %dma_start3A_143] : memref<100x64xi32, #tpu.memory_space<vmem>> -> memref<1x64xi32, #tpu.memory_space<vmem>>
    %dma_start3A_145 = tpu.memref_squeeze %dma_start3A_144 : memref<1x64xi32, #tpu.memory_space<vmem>> -> memref<64xi32, #tpu.memory_space<vmem>>
    %dma_start3A_146 = arith.constant 0 : i32
    %dma_start3A_147 = arith.constant 0 : i32
    %dma_start3A_148 = tpu.memref_slice %arg3[%dma_start3A_146, %dma_start3A_147] : memref<100000x128xf32, #tpu.memory_space<hbm>> -> memref<100000x128xf32, #tpu.memory_space<hbm>>
    tpu.enqueue_indirect_dma source(%dma_start3A_148 : memref<100000x128xf32, #tpu.memory_space<hbm>>) target(%arg7 : memref<64x128xf32, #tpu.memory_space<vmem>>) offsets(%dma_start3A_145 : memref<64xi32, #tpu.memory_space<vmem>>) semaphore(%arg17 : memref<!tpu.dma_semaphore, #tpu.memory_space<semaphore_mem>>)
    %dma_wait3A_149 = arith.constant 4 : i32
    %dma_wait3A_150 = arith.constant 0 : i32
    %dma_wait3A_151 = tpu.memref_slice %arg5[%dma_wait3A_149, %dma_wait3A_150] : memref<100x64xi32, #tpu.memory_space<vmem>> -> memref<1x64xi32, #tpu.memory_space<vmem>>
    %dma_wait3A_152 = tpu.memref_squeeze %dma_wait3A_151 : memref<1x64xi32, #tpu.memory_space<vmem>> -> memref<64xi32, #tpu.memory_space<vmem>>
    %dma_wait3A_153 = arith.constant 0 : i32
    %dma_wait3A_154 = arith.constant 0 : i32
    %dma_wait3A_155 = tpu.memref_slice %arg3[%dma_wait3A_153, %dma_wait3A_154] : memref<100000x128xf32, #tpu.memory_space<hbm>> -> memref<100000x128xf32, #tpu.memory_space<hbm>>
    tpu.wait_indirect_dma semaphore(%arg20 : memref<!tpu.dma_semaphore, #tpu.memory_space<semaphore_mem>>) src(%dma_wait3A_155 : memref<100000x128xf32, #tpu.memory_space<hbm>>) dst(%arg10 : memref<64x128xf32, #tpu.memory_space<vmem>>)
    %add3A_156 = arith.constant 256 : i32
    %add3A_157 = arith.addi %mul3A_2, %add3A_156 : i32
    %dma_start3A_158 = arith.constant 0 : i32
    %dma_start3A_159 = tpu.memref_slice %arg4[%add3A_157, %dma_start3A_158] : memref<204800x128xf32, #tpu.memory_space<hbm>> -> memref<64x128xf32, #tpu.memory_space<hbm>>
    %dma_start3A_160 = arith.constant 0 : i32
    %dma_start3A_161 = tpu.memref_slice %arg4[%add3A_157, %dma_start3A_160] : memref<204800x128xf32, #tpu.memory_space<hbm>> -> memref<64x128xf32, #tpu.memory_space<hbm>>
    tpu.enqueue_dma source(%arg10 : memref<64x128xf32, #tpu.memory_space<vmem>>) target(%dma_start3A_161 : memref<64x128xf32, #tpu.memory_space<hbm>>) target_semaphore(%arg30 : memref<!tpu.dma_semaphore, #tpu.memory_space<semaphore_mem>>)
    %add3A_162 = arith.constant 128 : i32
    %add3A_163 = arith.addi %mul3A_2, %add3A_162 : i32
    %dma_wait3A_164 = arith.constant 0 : i32
    %dma_wait3A_165 = tpu.memref_slice %arg4[%add3A_163, %dma_wait3A_164] : memref<204800x128xf32, #tpu.memory_space<hbm>> -> memref<64x128xf32, #tpu.memory_space<hbm>>
    %dma_wait3A_166 = arith.constant 0 : i32
    %dma_wait3A_167 = tpu.memref_slice %arg4[%add3A_163, %dma_wait3A_166] : memref<204800x128xf32, #tpu.memory_space<hbm>> -> memref<64x128xf32, #tpu.memory_space<hbm>>
    tpu.wait_dma2 semaphore(%arg28 : memref<!tpu.dma_semaphore, #tpu.memory_space<semaphore_mem>>) src(%arg8 : memref<64x128xf32, #tpu.memory_space<vmem>>) dst(%dma_wait3A_167 : memref<64x128xf32, #tpu.memory_space<hbm>>)
    %dma_start3A_168 = arith.constant 12 : i32
    %dma_start3A_169 = arith.constant 0 : i32
    %dma_start3A_170 = tpu.memref_slice %arg5[%dma_start3A_168, %dma_start3A_169] : memref<100x64xi32, #tpu.memory_space<vmem>> -> memref<1x64xi32, #tpu.memory_space<vmem>>
    %dma_start3A_171 = tpu.memref_squeeze %dma_start3A_170 : memref<1x64xi32, #tpu.memory_space<vmem>> -> memref<64xi32, #tpu.memory_space<vmem>>
    %dma_start3A_172 = arith.constant 0 : i32
    %dma_start3A_173 = arith.constant 0 : i32
    %dma_start3A_174 = tpu.memref_slice %arg3[%dma_start3A_172, %dma_start3A_173] : memref<100000x128xf32, #tpu.memory_space<hbm>> -> memref<100000x128xf32, #tpu.memory_space<hbm>>
    tpu.enqueue_indirect_dma source(%dma_start3A_174 : memref<100000x128xf32, #tpu.memory_space<hbm>>) target(%arg8 : memref<64x128xf32, #tpu.memory_space<vmem>>) offsets(%dma_start3A_171 : memref<64xi32, #tpu.memory_space<vmem>>) semaphore(%arg18 : memref<!tpu.dma_semaphore, #tpu.memory_space<semaphore_mem>>)
    %dma_wait3A_175 = arith.constant 5 : i32
    %dma_wait3A_176 = arith.constant 0 : i32
    %dma_wait3A_177 = tpu.memref_slice %arg5[%dma_wait3A_175, %dma_wait3A_176] : memref<100x64xi32, #tpu.memory_space<vmem>> -> memref<1x64xi32, #tpu.memory_space<vmem>>
    %dma_wait3A_178 = tpu.memref_squeeze %dma_wait3A_177 : memref<1x64xi32, #tpu.memory_space<vmem>> -> memref<64xi32, #tpu.memory_space<vmem>>
    %dma_wait3A_179 = arith.constant 0 : i32
    %dma_wait3A_180 = arith.constant 0 : i32
    %dma_wait3A_181 = tpu.memref_slice %arg3[%dma_wait3A_179, %dma_wait3A_180] : memref<100000x128xf32, #tpu.memory_space<hbm>> -> memref<100000x128xf32, #tpu.memory_space<hbm>>
    tpu.wait_indirect_dma semaphore(%arg21 : memref<!tpu.dma_semaphore, #tpu.memory_space<semaphore_mem>>) src(%dma_wait3A_181 : memref<100000x128xf32, #tpu.memory_space<hbm>>) dst(%arg11 : memref<64x128xf32, #tpu.memory_space<vmem>>)
    %add3A_182 = arith.constant 320 : i32
    %add3A_183 = arith.addi %mul3A_2, %add3A_182 : i32
    %dma_start3A_184 = arith.constant 0 : i32
    %dma_start3A_185 = tpu.memref_slice %arg4[%add3A_183, %dma_start3A_184] : memref<204800x128xf32, #tpu.memory_space<hbm>> -> memref<64x128xf32, #tpu.memory_space<hbm>>
    %dma_start3A_186 = arith.constant 0 : i32
    %dma_start3A_187 = tpu.memref_slice %arg4[%add3A_183, %dma_start3A_186] : memref<204800x128xf32, #tpu.memory_space<hbm>> -> memref<64x128xf32, #tpu.memory_space<hbm>>
    tpu.enqueue_dma source(%arg11 : memref<64x128xf32, #tpu.memory_space<vmem>>) target(%dma_start3A_187 : memref<64x128xf32, #tpu.memory_space<hbm>>) target_semaphore(%arg31 : memref<!tpu.dma_semaphore, #tpu.memory_space<semaphore_mem>>)
    %add3A_188 = arith.constant 192 : i32
    %add3A_189 = arith.addi %mul3A_2, %add3A_188 : i32
    %dma_wait3A_190 = arith.constant 0 : i32
    %dma_wait3A_191 = tpu.memref_slice %arg4[%add3A_189, %dma_wait3A_190] : memref<204800x128xf32, #tpu.memory_space<hbm>> -> memref<64x128xf32, #tpu.memory_space<hbm>>
    %dma_wait3A_192 = arith.constant 0 : i32
    %dma_wait3A_193 = tpu.memref_slice %arg4[%add3A_189, %dma_wait3A_192] : memref<204800x128xf32, #tpu.memory_space<hbm>> -> memref<64x128xf32, #tpu.memory_space<hbm>>
    tpu.wait_dma2 semaphore(%arg29 : memref<!tpu.dma_semaphore, #tpu.memory_space<semaphore_mem>>) src(%arg9 : memref<64x128xf32, #tpu.memory_space<vmem>>) dst(%dma_wait3A_193 : memref<64x128xf32, #tpu.memory_space<hbm>>)
    %dma_start3A_194 = arith.constant 13 : i32
    %dma_start3A_195 = arith.constant 0 : i32
    %dma_start3A_196 = tpu.memref_slice %arg5[%dma_start3A_194, %dma_start3A_195] : memref<100x64xi32, #tpu.memory_space<vmem>> -> memref<1x64xi32, #tpu.memory_space<vmem>>
    %dma_start3A_197 = tpu.memref_squeeze %dma_start3A_196 : memref<1x64xi32, #tpu.memory_space<vmem>> -> memref<64xi32, #tpu.memory_space<vmem>>
    %dma_start3A_198 = arith.constant 0 : i32
    %dma_start3A_199 = arith.constant 0 : i32
    %dma_start3A_200 = tpu.memref_slice %arg3[%dma_start3A_198, %dma_start3A_199] : memref<100000x128xf32, #tpu.memory_space<hbm>> -> memref<100000x128xf32, #tpu.memory_space<hbm>>
    tpu.enqueue_indirect_dma source(%dma_start3A_200 : memref<100000x128xf32, #tpu.memory_space<hbm>>) target(%arg9 : memref<64x128xf32, #tpu.memory_space<vmem>>) offsets(%dma_start3A_197 : memref<64xi32, #tpu.memory_space<vmem>>) semaphore(%arg19 : memref<!tpu.dma_semaphore, #tpu.memory_space<semaphore_mem>>)
    %dma_wait3A_201 = arith.constant 6 : i32
    %dma_wait3A_202 = arith.constant 0 : i32
    %dma_wait3A_203 = tpu.memref_slice %arg5[%dma_wait3A_201, %dma_wait3A_202] : memref<100x64xi32, #tpu.memory_space<vmem>> -> memref<1x64xi32, #tpu.memory_space<vmem>>
    %dma_wait3A_204 = tpu.memref_squeeze %dma_wait3A_203 : memref<1x64xi32, #tpu.memory_space<vmem>> -> memref<64xi32, #tpu.memory_space<vmem>>
    %dma_wait3A_205 = arith.constant 0 : i32
    %dma_wait3A_206 = arith.constant 0 : i32
    %dma_wait3A_207 = tpu.memref_slice %arg3[%dma_wait3A_205, %dma_wait3A_206] : memref<100000x128xf32, #tpu.memory_space<hbm>> -> memref<100000x128xf32, #tpu.memory_space<hbm>>
    tpu.wait_indirect_dma semaphore(%arg22 : memref<!tpu.dma_semaphore, #tpu.memory_space<semaphore_mem>>) src(%dma_wait3A_207 : memref<100000x128xf32, #tpu.memory_space<hbm>>) dst(%arg12 : memref<64x128xf32, #tpu.memory_space<vmem>>)
    %add3A_208 = arith.constant 384 : i32
    %add3A_209 = arith.addi %mul3A_2, %add3A_208 : i32
    %dma_start3A_210 = arith.constant 0 : i32
    %dma_start3A_211 = tpu.memref_slice %arg4[%add3A_209, %dma_start3A_210] : memref<204800x128xf32, #tpu.memory_space<hbm>> -> memref<64x128xf32, #tpu.memory_space<hbm>>
    %dma_start3A_212 = arith.constant 0 : i32
    %dma_start3A_213 = tpu.memref_slice %arg4[%add3A_209, %dma_start3A_212] : memref<204800x128xf32, #tpu.memory_space<hbm>> -> memref<64x128xf32, #tpu.memory_space<hbm>>
    tpu.enqueue_dma source(%arg12 : memref<64x128xf32, #tpu.memory_space<vmem>>) target(%dma_start3A_213 : memref<64x128xf32, #tpu.memory_space<hbm>>) target_semaphore(%arg32 : memref<!tpu.dma_semaphore, #tpu.memory_space<semaphore_mem>>)
    %add3A_214 = arith.constant 256 : i32
    %add3A_215 = arith.addi %mul3A_2, %add3A_214 : i32
    %dma_wait3A_216 = arith.constant 0 : i32
    %dma_wait3A_217 = tpu.memref_slice %arg4[%add3A_215, %dma_wait3A_216] : memref<204800x128xf32, #tpu.memory_space<hbm>> -> memref<64x128xf32, #tpu.memory_space<hbm>>
    %dma_wait3A_218 = arith.constant 0 : i32
    %dma_wait3A_219 = tpu.memref_slice %arg4[%add3A_215, %dma_wait3A_218] : memref<204800x128xf32, #tpu.memory_space<hbm>> -> memref<64x128xf32, #tpu.memory_space<hbm>>
    tpu.wait_dma2 semaphore(%arg30 : memref<!tpu.dma_semaphore, #tpu.memory_space<semaphore_mem>>) src(%arg10 : memref<64x128xf32, #tpu.memory_space<vmem>>) dst(%dma_wait3A_219 : memref<64x128xf32, #tpu.memory_space<hbm>>)
    %dma_start3A_220 = arith.constant 14 : i32
    %dma_start3A_221 = arith.constant 0 : i32
    %dma_start3A_222 = tpu.memref_slice %arg5[%dma_start3A_220, %dma_start3A_221] : memref<100x64xi32, #tpu.memory_space<vmem>> -> memref<1x64xi32, #tpu.memory_space<vmem>>
    %dma_start3A_223 = tpu.memref_squeeze %dma_start3A_222 : memref<1x64xi32, #tpu.memory_space<vmem>> -> memref<64xi32, #tpu.memory_space<vmem>>
    %dma_start3A_224 = arith.constant 0 : i32
    %dma_start3A_225 = arith.constant 0 : i32
    %dma_start3A_226 = tpu.memref_slice %arg3[%dma_start3A_224, %dma_start3A_225] : memref<100000x128xf32, #tpu.memory_space<hbm>> -> memref<100000x128xf32, #tpu.memory_space<hbm>>
    tpu.enqueue_indirect_dma source(%dma_start3A_226 : memref<100000x128xf32, #tpu.memory_space<hbm>>) target(%arg10 : memref<64x128xf32, #tpu.memory_space<vmem>>) offsets(%dma_start3A_223 : memref<64xi32, #tpu.memory_space<vmem>>) semaphore(%arg20 : memref<!tpu.dma_semaphore, #tpu.memory_space<semaphore_mem>>)
    %dma_wait3A_227 = arith.constant 7 : i32
    %dma_wait3A_228 = arith.constant 0 : i32
    %dma_wait3A_229 = tpu.memref_slice %arg5[%dma_wait3A_227, %dma_wait3A_228] : memref<100x64xi32, #tpu.memory_space<vmem>> -> memref<1x64xi32, #tpu.memory_space<vmem>>
    %dma_wait3A_230 = tpu.memref_squeeze %dma_wait3A_229 : memref<1x64xi32, #tpu.memory_space<vmem>> -> memref<64xi32, #tpu.memory_space<vmem>>
    %dma_wait3A_231 = arith.constant 0 : i32
    %dma_wait3A_232 = arith.constant 0 : i32
    %dma_wait3A_233 = tpu.memref_slice %arg3[%dma_wait3A_231, %dma_wait3A_232] : memref<100000x128xf32, #tpu.memory_space<hbm>> -> memref<100000x128xf32, #tpu.memory_space<hbm>>
    tpu.wait_indirect_dma semaphore(%arg23 : memref<!tpu.dma_semaphore, #tpu.memory_space<semaphore_mem>>) src(%dma_wait3A_233 : memref<100000x128xf32, #tpu.memory_space<hbm>>) dst(%arg13 : memref<64x128xf32, #tpu.memory_space<vmem>>)
    %add3A_234 = arith.constant 448 : i32
    %add3A_235 = arith.addi %mul3A_2, %add3A_234 : i32
    %dma_start3A_236 = arith.constant 0 : i32
    %dma_start3A_237 = tpu.memref_slice %arg4[%add3A_235, %dma_start3A_236] : memref<204800x128xf32, #tpu.memory_space<hbm>> -> memref<64x128xf32, #tpu.memory_space<hbm>>
    %dma_start3A_238 = arith.constant 0 : i32
    %dma_start3A_239 = tpu.memref_slice %arg4[%add3A_235, %dma_start3A_238] : memref<204800x128xf32, #tpu.memory_space<hbm>> -> memref<64x128xf32, #tpu.memory_space<hbm>>
    tpu.enqueue_dma source(%arg13 : memref<64x128xf32, #tpu.memory_space<vmem>>) target(%dma_start3A_239 : memref<64x128xf32, #tpu.memory_space<hbm>>) target_semaphore(%arg33 : memref<!tpu.dma_semaphore, #tpu.memory_space<semaphore_mem>>)
    %add3A_240 = arith.constant 320 : i32
    %add3A_241 = arith.addi %mul3A_2, %add3A_240 : i32
    %dma_wait3A_242 = arith.constant 0 : i32
    %dma_wait3A_243 = tpu.memref_slice %arg4[%add3A_241, %dma_wait3A_242] : memref<204800x128xf32, #tpu.memory_space<hbm>> -> memref<64x128xf32, #tpu.memory_space<hbm>>
    %dma_wait3A_244 = arith.constant 0 : i32
    %dma_wait3A_245 = tpu.memref_slice %arg4[%add3A_241, %dma_wait3A_244] : memref<204800x128xf32, #tpu.memory_space<hbm>> -> memref<64x128xf32, #tpu.memory_space<hbm>>
    tpu.wait_dma2 semaphore(%arg31 : memref<!tpu.dma_semaphore, #tpu.memory_space<semaphore_mem>>) src(%arg11 : memref<64x128xf32, #tpu.memory_space<vmem>>) dst(%dma_wait3A_245 : memref<64x128xf32, #tpu.memory_space<hbm>>)
    %dma_start3A_246 = arith.constant 15 : i32
    %dma_start3A_247 = arith.constant 0 : i32
    %dma_start3A_248 = tpu.memref_slice %arg5[%dma_start3A_246, %dma_start3A_247] : memref<100x64xi32, #tpu.memory_space<vmem>> -> memref<1x64xi32, #tpu.memory_space<vmem>>
    %dma_start3A_249 = tpu.memref_squeeze %dma_start3A_248 : memref<1x64xi32, #tpu.memory_space<vmem>> -> memref<64xi32, #tpu.memory_space<vmem>>
    %dma_start3A_250 = arith.constant 0 : i32
    %dma_start3A_251 = arith.constant 0 : i32
    %dma_start3A_252 = tpu.memref_slice %arg3[%dma_start3A_250, %dma_start3A_251] : memref<100000x128xf32, #tpu.memory_space<hbm>> -> memref<100000x128xf32, #tpu.memory_space<hbm>>
    tpu.enqueue_indirect_dma source(%dma_start3A_252 : memref<100000x128xf32, #tpu.memory_space<hbm>>) target(%arg11 : memref<64x128xf32, #tpu.memory_space<vmem>>) offsets(%dma_start3A_249 : memref<64xi32, #tpu.memory_space<vmem>>) semaphore(%arg21 : memref<!tpu.dma_semaphore, #tpu.memory_space<semaphore_mem>>)
    %dma_wait3A_253 = arith.constant 8 : i32
    %dma_wait3A_254 = arith.constant 0 : i32
    %dma_wait3A_255 = tpu.memref_slice %arg5[%dma_wait3A_253, %dma_wait3A_254] : memref<100x64xi32, #tpu.memory_space<vmem>> -> memref<1x64xi32, #tpu.memory_space<vmem>>
    %dma_wait3A_256 = tpu.memref_squeeze %dma_wait3A_255 : memref<1x64xi32, #tpu.memory_space<vmem>> -> memref<64xi32, #tpu.memory_space<vmem>>
    %dma_wait3A_257 = arith.constant 0 : i32
    %dma_wait3A_258 = arith.constant 0 : i32
    %dma_wait3A_259 = tpu.memref_slice %arg3[%dma_wait3A_257, %dma_wait3A_258] : memref<100000x128xf32, #tpu.memory_space<hbm>> -> memref<100000x128xf32, #tpu.memory_space<hbm>>
    tpu.wait_indirect_dma semaphore(%arg24 : memref<!tpu.dma_semaphore, #tpu.memory_space<semaphore_mem>>) src(%dma_wait3A_259 : memref<100000x128xf32, #tpu.memory_space<hbm>>) dst(%arg14 : memref<64x128xf32, #tpu.memory_space<vmem>>)
    %add3A_260 = arith.constant 512 : i32
    %add3A_261 = arith.addi %mul3A_2, %add3A_260 : i32
    %dma_start3A_262 = arith.constant 0 : i32
    %dma_start3A_263 = tpu.memref_slice %arg4[%add3A_261, %dma_start3A_262] : memref<204800x128xf32, #tpu.memory_space<hbm>> -> memref<64x128xf32, #tpu.memory_space<hbm>>
    %dma_start3A_264 = arith.constant 0 : i32
    %dma_start3A_265 = tpu.memref_slice %arg4[%add3A_261, %dma_start3A_264] : memref<204800x128xf32, #tpu.memory_space<hbm>> -> memref<64x128xf32, #tpu.memory_space<hbm>>
    tpu.enqueue_dma source(%arg14 : memref<64x128xf32, #tpu.memory_space<vmem>>) target(%dma_start3A_265 : memref<64x128xf32, #tpu.memory_space<hbm>>) target_semaphore(%arg34 : memref<!tpu.dma_semaphore, #tpu.memory_space<semaphore_mem>>)
    %add3A_266 = arith.constant 384 : i32
    %add3A_267 = arith.addi %mul3A_2, %add3A_266 : i32
    %dma_wait3A_268 = arith.constant 0 : i32
    %dma_wait3A_269 = tpu.memref_slice %arg4[%add3A_267, %dma_wait3A_268] : memref<204800x128xf32, #tpu.memory_space<hbm>> -> memref<64x128xf32, #tpu.memory_space<hbm>>
    %dma_wait3A_270 = arith.constant 0 : i32
    %dma_wait3A_271 = tpu.memref_slice %arg4[%add3A_267, %dma_wait3A_270] : memref<204800x128xf32, #tpu.memory_space<hbm>> -> memref<64x128xf32, #tpu.memory_space<hbm>>
    tpu.wait_dma2 semaphore(%arg32 : memref<!tpu.dma_semaphore, #tpu.memory_space<semaphore_mem>>) src(%arg12 : memref<64x128xf32, #tpu.memory_space<vmem>>) dst(%dma_wait3A_271 : memref<64x128xf32, #tpu.memory_space<hbm>>)
    %dma_start3A_272 = arith.constant 16 : i32
    %dma_start3A_273 = arith.constant 0 : i32
    %dma_start3A_274 = tpu.memref_slice %arg5[%dma_start3A_272, %dma_start3A_273] : memref<100x64xi32, #tpu.memory_space<vmem>> -> memref<1x64xi32, #tpu.memory_space<vmem>>
    %dma_start3A_275 = tpu.memref_squeeze %dma_start3A_274 : memref<1x64xi32, #tpu.memory_space<vmem>> -> memref<64xi32, #tpu.memory_space<vmem>>
    %dma_start3A_276 = arith.constant 0 : i32
    %dma_start3A_277 = arith.constant 0 : i32
    %dma_start3A_278 = tpu.memref_slice %arg3[%dma_start3A_276, %dma_start3A_277] : memref<100000x128xf32, #tpu.memory_space<hbm>> -> memref<100000x128xf32, #tpu.memory_space<hbm>>
    tpu.enqueue_indirect_dma source(%dma_start3A_278 : memref<100000x128xf32, #tpu.memory_space<hbm>>) target(%arg12 : memref<64x128xf32, #tpu.memory_space<vmem>>) offsets(%dma_start3A_275 : memref<64xi32, #tpu.memory_space<vmem>>) semaphore(%arg22 : memref<!tpu.dma_semaphore, #tpu.memory_space<semaphore_mem>>)
    %dma_wait3A_279 = arith.constant 9 : i32
    %dma_wait3A_280 = arith.constant 0 : i32
    %dma_wait3A_281 = tpu.memref_slice %arg5[%dma_wait3A_279, %dma_wait3A_280] : memref<100x64xi32, #tpu.memory_space<vmem>> -> memref<1x64xi32, #tpu.memory_space<vmem>>
    %dma_wait3A_282 = tpu.memref_squeeze %dma_wait3A_281 : memref<1x64xi32, #tpu.memory_space<vmem>> -> memref<64xi32, #tpu.memory_space<vmem>>
    %dma_wait3A_283 = arith.constant 0 : i32
    %dma_wait3A_284 = arith.constant 0 : i32
    %dma_wait3A_285 = tpu.memref_slice %arg3[%dma_wait3A_283, %dma_wait3A_284] : memref<100000x128xf32, #tpu.memory_space<hbm>> -> memref<100000x128xf32, #tpu.memory_space<hbm>>
    tpu.wait_indirect_dma semaphore(%arg25 : memref<!tpu.dma_semaphore, #tpu.memory_space<semaphore_mem>>) src(%dma_wait3A_285 : memref<100000x128xf32, #tpu.memory_space<hbm>>) dst(%arg15 : memref<64x128xf32, #tpu.memory_space<vmem>>)
    %add3A_286 = arith.constant 576 : i32
    %add3A_287 = arith.addi %mul3A_2, %add3A_286 : i32
    %dma_start3A_288 = arith.constant 0 : i32
    %dma_start3A_289 = tpu.memref_slice %arg4[%add3A_287, %dma_start3A_288] : memref<204800x128xf32, #tpu.memory_space<hbm>> -> memref<64x128xf32, #tpu.memory_space<hbm>>
    %dma_start3A_290 = arith.constant 0 : i32
    %dma_start3A_291 = tpu.memref_slice %arg4[%add3A_287, %dma_start3A_290] : memref<204800x128xf32, #tpu.memory_space<hbm>> -> memref<64x128xf32, #tpu.memory_space<hbm>>
    tpu.enqueue_dma source(%arg15 : memref<64x128xf32, #tpu.memory_space<vmem>>) target(%dma_start3A_291 : memref<64x128xf32, #tpu.memory_space<hbm>>) target_semaphore(%arg35 : memref<!tpu.dma_semaphore, #tpu.memory_space<semaphore_mem>>)
    %add3A_292 = arith.constant 448 : i32
    %add3A_293 = arith.addi %mul3A_2, %add3A_292 : i32
    %dma_wait3A_294 = arith.constant 0 : i32
    %dma_wait3A_295 = tpu.memref_slice %arg4[%add3A_293, %dma_wait3A_294] : memref<204800x128xf32, #tpu.memory_space<hbm>> -> memref<64x128xf32, #tpu.memory_space<hbm>>
    %dma_wait3A_296 = arith.constant 0 : i32
    %dma_wait3A_297 = tpu.memref_slice %arg4[%add3A_293, %dma_wait3A_296] : memref<204800x128xf32, #tpu.memory_space<hbm>> -> memref<64x128xf32, #tpu.memory_space<hbm>>
    tpu.wait_dma2 semaphore(%arg33 : memref<!tpu.dma_semaphore, #tpu.memory_space<semaphore_mem>>) src(%arg13 : memref<64x128xf32, #tpu.memory_space<vmem>>) dst(%dma_wait3A_297 : memref<64x128xf32, #tpu.memory_space<hbm>>)
    %dma_start3A_298 = arith.constant 17 : i32
    %dma_start3A_299 = arith.constant 0 : i32
    %dma_start3A_300 = tpu.memref_slice %arg5[%dma_start3A_298, %dma_start3A_299] : memref<100x64xi32, #tpu.memory_space<vmem>> -> memref<1x64xi32, #tpu.memory_space<vmem>>
    %dma_start3A_301 = tpu.memref_squeeze %dma_start3A_300 : memref<1x64xi32, #tpu.memory_space<vmem>> -> memref<64xi32, #tpu.memory_space<vmem>>
    %dma_start3A_302 = arith.constant 0 : i32
    %dma_start3A_303 = arith.constant 0 : i32
    %dma_start3A_304 = tpu.memref_slice %arg3[%dma_start3A_302, %dma_start3A_303] : memref<100000x128xf32, #tpu.memory_space<hbm>> -> memref<100000x128xf32, #tpu.memory_space<hbm>>
    tpu.enqueue_indirect_dma source(%dma_start3A_304 : memref<100000x128xf32, #tpu.memory_space<hbm>>) target(%arg13 : memref<64x128xf32, #tpu.memory_space<vmem>>) offsets(%dma_start3A_301 : memref<64xi32, #tpu.memory_space<vmem>>) semaphore(%arg23 : memref<!tpu.dma_semaphore, #tpu.memory_space<semaphore_mem>>)
    %scan3A = arith.constant 0 : i32
    %scan3A_305 = arith.constant 1 : i32
    %scan3A_306 = arith.constant 9 : i32
    %scan3A_307 = arith.addi %scan3A_305, %scan3A_306 : i32
    %scan3A_308 = arith.constant 1 : i32
    scf.for %scan3A_370 = %scan3A_305 to %scan3A_307 step %scan3A_308  : i32 {
      %mul3A_371 = arith.constant 10 : i32
      %mul3A_372 = arith.muli %scan3A_370, %mul3A_371 : i32
      %add3A_373 = arith.constant 0 : i32
      %add3A_374 = arith.addi %mul3A_372, %add3A_373 : i32
      %dma_wait3A_375 = arith.constant 0 : i32
      %dma_wait3A_376 = tpu.memref_slice %arg5[%add3A_374, %dma_wait3A_375] : memref<100x64xi32, #tpu.memory_space<vmem>> -> memref<1x64xi32, #tpu.memory_space<vmem>>
      %dma_wait3A_377 = tpu.memref_squeeze %dma_wait3A_376 : memref<1x64xi32, #tpu.memory_space<vmem>> -> memref<64xi32, #tpu.memory_space<vmem>>
      %dma_wait3A_378 = arith.constant 0 : i32
      %dma_wait3A_379 = arith.constant 0 : i32
      %dma_wait3A_380 = tpu.memref_slice %arg3[%dma_wait3A_378, %dma_wait3A_379] : memref<100000x128xf32, #tpu.memory_space<hbm>> -> memref<100000x128xf32, #tpu.memory_space<hbm>>
      tpu.wait_indirect_dma semaphore(%arg16 : memref<!tpu.dma_semaphore, #tpu.memory_space<semaphore_mem>>) src(%dma_wait3A_380 : memref<100000x128xf32, #tpu.memory_space<hbm>>) dst(%arg6 : memref<64x128xf32, #tpu.memory_space<vmem>>)
      %mul3A_381 = arith.constant 64 : i32
      %mul3A_382 = arith.muli %add3A_374, %mul3A_381 : i32
      %add3A_383 = arith.addi %mul3A_2, %mul3A_382 : i32
      %dma_start3A_384 = arith.constant 0 : i32
      %dma_start3A_385 = tpu.memref_slice %arg4[%add3A_383, %dma_start3A_384] : memref<204800x128xf32, #tpu.memory_space<hbm>> -> memref<64x128xf32, #tpu.memory_space<hbm>>
      %dma_start3A_386 = arith.constant 0 : i32
      %dma_start3A_387 = tpu.memref_slice %arg4[%add3A_383, %dma_start3A_386] : memref<204800x128xf32, #tpu.memory_space<hbm>> -> memref<64x128xf32, #tpu.memory_space<hbm>>
      tpu.enqueue_dma source(%arg6 : memref<64x128xf32, #tpu.memory_space<vmem>>) target(%dma_start3A_387 : memref<64x128xf32, #tpu.memory_space<hbm>>) target_semaphore(%arg26 : memref<!tpu.dma_semaphore, #tpu.memory_space<semaphore_mem>>)
      %add3A_388 = arith.constant 10 : i32
      %add3A_389 = arith.addi %add3A_374, %add3A_388 : i32
      %sub3A = arith.constant 2 : i32
      %sub3A_390 = arith.subi %add3A_389, %sub3A : i32
      %lt3A = arith.constant 100 : i32
      %lt3A_391 = arith.cmpi slt, %sub3A_390, %lt3A : i32
      %convert_element_type3A = arith.extui %lt3A_391 : i1 to i32
      %cond3A = arith.constant 0 : i32
      %cond3A_392 = arith.cmpi ne, %convert_element_type3A, %cond3A : i32
      scf.if %cond3A_392 {
        %sub3A_609 = arith.constant 2 : i32
        %sub3A_610 = arith.subi %add3A_374, %sub3A_609 : i32
        %mul3A_611 = arith.constant 64 : i32
        %mul3A_612 = arith.muli %sub3A_610, %mul3A_611 : i32
        %add3A_613 = arith.addi %mul3A_2, %mul3A_612 : i32
        %dma_wait3A_614 = arith.constant 0 : i32
        %dma_wait3A_615 = tpu.memref_slice %arg4[%add3A_613, %dma_wait3A_614] : memref<204800x128xf32, #tpu.memory_space<hbm>> -> memref<64x128xf32, #tpu.memory_space<hbm>>
        %dma_wait3A_616 = arith.constant 0 : i32
        %dma_wait3A_617 = tpu.memref_slice %arg4[%add3A_613, %dma_wait3A_616] : memref<204800x128xf32, #tpu.memory_space<hbm>> -> memref<64x128xf32, #tpu.memory_space<hbm>>
        tpu.wait_dma2 semaphore(%arg34 : memref<!tpu.dma_semaphore, #tpu.memory_space<semaphore_mem>>) src(%arg14 : memref<64x128xf32, #tpu.memory_space<vmem>>) dst(%dma_wait3A_617 : memref<64x128xf32, #tpu.memory_space<hbm>>)
        %add3A_618 = arith.constant 10 : i32
        %add3A_619 = arith.addi %add3A_374, %add3A_618 : i32
        %sub3A_620 = arith.constant 2 : i32
        %sub3A_621 = arith.subi %add3A_619, %sub3A_620 : i32
        %dma_start3A_622 = arith.constant 0 : i32
        %dma_start3A_623 = tpu.memref_slice %arg5[%sub3A_621, %dma_start3A_622] : memref<100x64xi32, #tpu.memory_space<vmem>> -> memref<1x64xi32, #tpu.memory_space<vmem>>
        %dma_start3A_624 = tpu.memref_squeeze %dma_start3A_623 : memref<1x64xi32, #tpu.memory_space<vmem>> -> memref<64xi32, #tpu.memory_space<vmem>>
        %dma_start3A_625 = arith.constant 0 : i32
        %dma_start3A_626 = arith.constant 0 : i32
        %dma_start3A_627 = tpu.memref_slice %arg3[%dma_start3A_625, %dma_start3A_626] : memref<100000x128xf32, #tpu.memory_space<hbm>> -> memref<100000x128xf32, #tpu.memory_space<hbm>>
        tpu.enqueue_indirect_dma source(%dma_start3A_627 : memref<100000x128xf32, #tpu.memory_space<hbm>>) target(%arg14 : memref<64x128xf32, #tpu.memory_space<vmem>>) offsets(%dma_start3A_624 : memref<64xi32, #tpu.memory_space<vmem>>) semaphore(%arg24 : memref<!tpu.dma_semaphore, #tpu.memory_space<semaphore_mem>>)
      } else {
      }
      %add3A_393 = arith.constant 1 : i32
      %add3A_394 = arith.addi %mul3A_372, %add3A_393 : i32
      %dma_wait3A_395 = arith.constant 0 : i32
      %dma_wait3A_396 = tpu.memref_slice %arg5[%add3A_394, %dma_wait3A_395] : memref<100x64xi32, #tpu.memory_space<vmem>> -> memref<1x64xi32, #tpu.memory_space<vmem>>
      %dma_wait3A_397 = tpu.memref_squeeze %dma_wait3A_396 : memref<1x64xi32, #tpu.memory_space<vmem>> -> memref<64xi32, #tpu.memory_space<vmem>>
      %dma_wait3A_398 = arith.constant 0 : i32
      %dma_wait3A_399 = arith.constant 0 : i32
      %dma_wait3A_400 = tpu.memref_slice %arg3[%dma_wait3A_398, %dma_wait3A_399] : memref<100000x128xf32, #tpu.memory_space<hbm>> -> memref<100000x128xf32, #tpu.memory_space<hbm>>
      tpu.wait_indirect_dma semaphore(%arg17 : memref<!tpu.dma_semaphore, #tpu.memory_space<semaphore_mem>>) src(%dma_wait3A_400 : memref<100000x128xf32, #tpu.memory_space<hbm>>) dst(%arg7 : memref<64x128xf32, #tpu.memory_space<vmem>>)
      %mul3A_401 = arith.constant 64 : i32
      %mul3A_402 = arith.muli %add3A_394, %mul3A_401 : i32
      %add3A_403 = arith.addi %mul3A_2, %mul3A_402 : i32
      %dma_start3A_404 = arith.constant 0 : i32
      %dma_start3A_405 = tpu.memref_slice %arg4[%add3A_403, %dma_start3A_404] : memref<204800x128xf32, #tpu.memory_space<hbm>> -> memref<64x128xf32, #tpu.memory_space<hbm>>
      %dma_start3A_406 = arith.constant 0 : i32
      %dma_start3A_407 = tpu.memref_slice %arg4[%add3A_403, %dma_start3A_406] : memref<204800x128xf32, #tpu.memory_space<hbm>> -> memref<64x128xf32, #tpu.memory_space<hbm>>
      tpu.enqueue_dma source(%arg7 : memref<64x128xf32, #tpu.memory_space<vmem>>) target(%dma_start3A_407 : memref<64x128xf32, #tpu.memory_space<hbm>>) target_semaphore(%arg27 : memref<!tpu.dma_semaphore, #tpu.memory_space<semaphore_mem>>)
      %add3A_408 = arith.constant 10 : i32
      %add3A_409 = arith.addi %add3A_394, %add3A_408 : i32
      %sub3A_410 = arith.constant 2 : i32
      %sub3A_411 = arith.subi %add3A_409, %sub3A_410 : i32
      %lt3A_412 = arith.constant 100 : i32
      %lt3A_413 = arith.cmpi slt, %sub3A_411, %lt3A_412 : i32
      %convert_element_type3A_414 = arith.extui %lt3A_413 : i1 to i32
      %cond3A_415 = arith.constant 0 : i32
      %cond3A_416 = arith.cmpi ne, %convert_element_type3A_414, %cond3A_415 : i32
      scf.if %cond3A_416 {
        %sub3A_609 = arith.constant 2 : i32
        %sub3A_610 = arith.subi %add3A_394, %sub3A_609 : i32
        %mul3A_611 = arith.constant 64 : i32
        %mul3A_612 = arith.muli %sub3A_610, %mul3A_611 : i32
        %add3A_613 = arith.addi %mul3A_2, %mul3A_612 : i32
        %dma_wait3A_614 = arith.constant 0 : i32
        %dma_wait3A_615 = tpu.memref_slice %arg4[%add3A_613, %dma_wait3A_614] : memref<204800x128xf32, #tpu.memory_space<hbm>> -> memref<64x128xf32, #tpu.memory_space<hbm>>
        %dma_wait3A_616 = arith.constant 0 : i32
        %dma_wait3A_617 = tpu.memref_slice %arg4[%add3A_613, %dma_wait3A_616] : memref<204800x128xf32, #tpu.memory_space<hbm>> -> memref<64x128xf32, #tpu.memory_space<hbm>>
        tpu.wait_dma2 semaphore(%arg35 : memref<!tpu.dma_semaphore, #tpu.memory_space<semaphore_mem>>) src(%arg15 : memref<64x128xf32, #tpu.memory_space<vmem>>) dst(%dma_wait3A_617 : memref<64x128xf32, #tpu.memory_space<hbm>>)
        %add3A_618 = arith.constant 10 : i32
        %add3A_619 = arith.addi %add3A_394, %add3A_618 : i32
        %sub3A_620 = arith.constant 2 : i32
        %sub3A_621 = arith.subi %add3A_619, %sub3A_620 : i32
        %dma_start3A_622 = arith.constant 0 : i32
        %dma_start3A_623 = tpu.memref_slice %arg5[%sub3A_621, %dma_start3A_622] : memref<100x64xi32, #tpu.memory_space<vmem>> -> memref<1x64xi32, #tpu.memory_space<vmem>>
        %dma_start3A_624 = tpu.memref_squeeze %dma_start3A_623 : memref<1x64xi32, #tpu.memory_space<vmem>> -> memref<64xi32, #tpu.memory_space<vmem>>
        %dma_start3A_625 = arith.constant 0 : i32
        %dma_start3A_626 = arith.constant 0 : i32
        %dma_start3A_627 = tpu.memref_slice %arg3[%dma_start3A_625, %dma_start3A_626] : memref<100000x128xf32, #tpu.memory_space<hbm>> -> memref<100000x128xf32, #tpu.memory_space<hbm>>
        tpu.enqueue_indirect_dma source(%dma_start3A_627 : memref<100000x128xf32, #tpu.memory_space<hbm>>) target(%arg15 : memref<64x128xf32, #tpu.memory_space<vmem>>) offsets(%dma_start3A_624 : memref<64xi32, #tpu.memory_space<vmem>>) semaphore(%arg25 : memref<!tpu.dma_semaphore, #tpu.memory_space<semaphore_mem>>)
      } else {
      }
      %add3A_417 = arith.constant 2 : i32
      %add3A_418 = arith.addi %mul3A_372, %add3A_417 : i32
      %dma_wait3A_419 = arith.constant 0 : i32
      %dma_wait3A_420 = tpu.memref_slice %arg5[%add3A_418, %dma_wait3A_419] : memref<100x64xi32, #tpu.memory_space<vmem>> -> memref<1x64xi32, #tpu.memory_space<vmem>>
      %dma_wait3A_421 = tpu.memref_squeeze %dma_wait3A_420 : memref<1x64xi32, #tpu.memory_space<vmem>> -> memref<64xi32, #tpu.memory_space<vmem>>
      %dma_wait3A_422 = arith.constant 0 : i32
      %dma_wait3A_423 = arith.constant 0 : i32
      %dma_wait3A_424 = tpu.memref_slice %arg3[%dma_wait3A_422, %dma_wait3A_423] : memref<100000x128xf32, #tpu.memory_space<hbm>> -> memref<100000x128xf32, #tpu.memory_space<hbm>>
      tpu.wait_indirect_dma semaphore(%arg18 : memref<!tpu.dma_semaphore, #tpu.memory_space<semaphore_mem>>) src(%dma_wait3A_424 : memref<100000x128xf32, #tpu.memory_space<hbm>>) dst(%arg8 : memref<64x128xf32, #tpu.memory_space<vmem>>)
      %mul3A_425 = arith.constant 64 : i32
      %mul3A_426 = arith.muli %add3A_418, %mul3A_425 : i32
      %add3A_427 = arith.addi %mul3A_2, %mul3A_426 : i32
      %dma_start3A_428 = arith.constant 0 : i32
      %dma_start3A_429 = tpu.memref_slice %arg4[%add3A_427, %dma_start3A_428] : memref<204800x128xf32, #tpu.memory_space<hbm>> -> memref<64x128xf32, #tpu.memory_space<hbm>>
      %dma_start3A_430 = arith.constant 0 : i32
      %dma_start3A_431 = tpu.memref_slice %arg4[%add3A_427, %dma_start3A_430] : memref<204800x128xf32, #tpu.memory_space<hbm>> -> memref<64x128xf32, #tpu.memory_space<hbm>>
      tpu.enqueue_dma source(%arg8 : memref<64x128xf32, #tpu.memory_space<vmem>>) target(%dma_start3A_431 : memref<64x128xf32, #tpu.memory_space<hbm>>) target_semaphore(%arg28 : memref<!tpu.dma_semaphore, #tpu.memory_space<semaphore_mem>>)
      %add3A_432 = arith.constant 10 : i32
      %add3A_433 = arith.addi %add3A_418, %add3A_432 : i32
      %sub3A_434 = arith.constant 2 : i32
      %sub3A_435 = arith.subi %add3A_433, %sub3A_434 : i32
      %lt3A_436 = arith.constant 100 : i32
      %lt3A_437 = arith.cmpi slt, %sub3A_435, %lt3A_436 : i32
      %convert_element_type3A_438 = arith.extui %lt3A_437 : i1 to i32
      %cond3A_439 = arith.constant 0 : i32
      %cond3A_440 = arith.cmpi ne, %convert_element_type3A_438, %cond3A_439 : i32
      scf.if %cond3A_440 {
        %sub3A_609 = arith.constant 2 : i32
        %sub3A_610 = arith.subi %add3A_418, %sub3A_609 : i32
        %mul3A_611 = arith.constant 64 : i32
        %mul3A_612 = arith.muli %sub3A_610, %mul3A_611 : i32
        %add3A_613 = arith.addi %mul3A_2, %mul3A_612 : i32
        %dma_wait3A_614 = arith.constant 0 : i32
        %dma_wait3A_615 = tpu.memref_slice %arg4[%add3A_613, %dma_wait3A_614] : memref<204800x128xf32, #tpu.memory_space<hbm>> -> memref<64x128xf32, #tpu.memory_space<hbm>>
        %dma_wait3A_616 = arith.constant 0 : i32
        %dma_wait3A_617 = tpu.memref_slice %arg4[%add3A_613, %dma_wait3A_616] : memref<204800x128xf32, #tpu.memory_space<hbm>> -> memref<64x128xf32, #tpu.memory_space<hbm>>
        tpu.wait_dma2 semaphore(%arg26 : memref<!tpu.dma_semaphore, #tpu.memory_space<semaphore_mem>>) src(%arg6 : memref<64x128xf32, #tpu.memory_space<vmem>>) dst(%dma_wait3A_617 : memref<64x128xf32, #tpu.memory_space<hbm>>)
        %add3A_618 = arith.constant 10 : i32
        %add3A_619 = arith.addi %add3A_418, %add3A_618 : i32
        %sub3A_620 = arith.constant 2 : i32
        %sub3A_621 = arith.subi %add3A_619, %sub3A_620 : i32
        %dma_start3A_622 = arith.constant 0 : i32
        %dma_start3A_623 = tpu.memref_slice %arg5[%sub3A_621, %dma_start3A_622] : memref<100x64xi32, #tpu.memory_space<vmem>> -> memref<1x64xi32, #tpu.memory_space<vmem>>
        %dma_start3A_624 = tpu.memref_squeeze %dma_start3A_623 : memref<1x64xi32, #tpu.memory_space<vmem>> -> memref<64xi32, #tpu.memory_space<vmem>>
        %dma_start3A_625 = arith.constant 0 : i32
        %dma_start3A_626 = arith.constant 0 : i32
        %dma_start3A_627 = tpu.memref_slice %arg3[%dma_start3A_625, %dma_start3A_626] : memref<100000x128xf32, #tpu.memory_space<hbm>> -> memref<100000x128xf32, #tpu.memory_space<hbm>>
        tpu.enqueue_indirect_dma source(%dma_start3A_627 : memref<100000x128xf32, #tpu.memory_space<hbm>>) target(%arg6 : memref<64x128xf32, #tpu.memory_space<vmem>>) offsets(%dma_start3A_624 : memref<64xi32, #tpu.memory_space<vmem>>) semaphore(%arg16 : memref<!tpu.dma_semaphore, #tpu.memory_space<semaphore_mem>>)
      } else {
      }
      %add3A_441 = arith.constant 3 : i32
      %add3A_442 = arith.addi %mul3A_372, %add3A_441 : i32
      %dma_wait3A_443 = arith.constant 0 : i32
      %dma_wait3A_444 = tpu.memref_slice %arg5[%add3A_442, %dma_wait3A_443] : memref<100x64xi32, #tpu.memory_space<vmem>> -> memref<1x64xi32, #tpu.memory_space<vmem>>
      %dma_wait3A_445 = tpu.memref_squeeze %dma_wait3A_444 : memref<1x64xi32, #tpu.memory_space<vmem>> -> memref<64xi32, #tpu.memory_space<vmem>>
      %dma_wait3A_446 = arith.constant 0 : i32
      %dma_wait3A_447 = arith.constant 0 : i32
      %dma_wait3A_448 = tpu.memref_slice %arg3[%dma_wait3A_446, %dma_wait3A_447] : memref<100000x128xf32, #tpu.memory_space<hbm>> -> memref<100000x128xf32, #tpu.memory_space<hbm>>
      tpu.wait_indirect_dma semaphore(%arg19 : memref<!tpu.dma_semaphore, #tpu.memory_space<semaphore_mem>>) src(%dma_wait3A_448 : memref<100000x128xf32, #tpu.memory_space<hbm>>) dst(%arg9 : memref<64x128xf32, #tpu.memory_space<vmem>>)
      %mul3A_449 = arith.constant 64 : i32
      %mul3A_450 = arith.muli %add3A_442, %mul3A_449 : i32
      %add3A_451 = arith.addi %mul3A_2, %mul3A_450 : i32
      %dma_start3A_452 = arith.constant 0 : i32
      %dma_start3A_453 = tpu.memref_slice %arg4[%add3A_451, %dma_start3A_452] : memref<204800x128xf32, #tpu.memory_space<hbm>> -> memref<64x128xf32, #tpu.memory_space<hbm>>
      %dma_start3A_454 = arith.constant 0 : i32
      %dma_start3A_455 = tpu.memref_slice %arg4[%add3A_451, %dma_start3A_454] : memref<204800x128xf32, #tpu.memory_space<hbm>> -> memref<64x128xf32, #tpu.memory_space<hbm>>
      tpu.enqueue_dma source(%arg9 : memref<64x128xf32, #tpu.memory_space<vmem>>) target(%dma_start3A_455 : memref<64x128xf32, #tpu.memory_space<hbm>>) target_semaphore(%arg29 : memref<!tpu.dma_semaphore, #tpu.memory_space<semaphore_mem>>)
      %add3A_456 = arith.constant 10 : i32
      %add3A_457 = arith.addi %add3A_442, %add3A_456 : i32
      %sub3A_458 = arith.constant 2 : i32
      %sub3A_459 = arith.subi %add3A_457, %sub3A_458 : i32
      %lt3A_460 = arith.constant 100 : i32
      %lt3A_461 = arith.cmpi slt, %sub3A_459, %lt3A_460 : i32
      %convert_element_type3A_462 = arith.extui %lt3A_461 : i1 to i32
      %cond3A_463 = arith.constant 0 : i32
      %cond3A_464 = arith.cmpi ne, %convert_element_type3A_462, %cond3A_463 : i32
      scf.if %cond3A_464 {
        %sub3A_609 = arith.constant 2 : i32
        %sub3A_610 = arith.subi %add3A_442, %sub3A_609 : i32
        %mul3A_611 = arith.constant 64 : i32
        %mul3A_612 = arith.muli %sub3A_610, %mul3A_611 : i32
        %add3A_613 = arith.addi %mul3A_2, %mul3A_612 : i32
        %dma_wait3A_614 = arith.constant 0 : i32
        %dma_wait3A_615 = tpu.memref_slice %arg4[%add3A_613, %dma_wait3A_614] : memref<204800x128xf32, #tpu.memory_space<hbm>> -> memref<64x128xf32, #tpu.memory_space<hbm>>
        %dma_wait3A_616 = arith.constant 0 : i32
        %dma_wait3A_617 = tpu.memref_slice %arg4[%add3A_613, %dma_wait3A_616] : memref<204800x128xf32, #tpu.memory_space<hbm>> -> memref<64x128xf32, #tpu.memory_space<hbm>>
        tpu.wait_dma2 semaphore(%arg27 : memref<!tpu.dma_semaphore, #tpu.memory_space<semaphore_mem>>) src(%arg7 : memref<64x128xf32, #tpu.memory_space<vmem>>) dst(%dma_wait3A_617 : memref<64x128xf32, #tpu.memory_space<hbm>>)
        %add3A_618 = arith.constant 10 : i32
        %add3A_619 = arith.addi %add3A_442, %add3A_618 : i32
        %sub3A_620 = arith.constant 2 : i32
        %sub3A_621 = arith.subi %add3A_619, %sub3A_620 : i32
        %dma_start3A_622 = arith.constant 0 : i32
        %dma_start3A_623 = tpu.memref_slice %arg5[%sub3A_621, %dma_start3A_622] : memref<100x64xi32, #tpu.memory_space<vmem>> -> memref<1x64xi32, #tpu.memory_space<vmem>>
        %dma_start3A_624 = tpu.memref_squeeze %dma_start3A_623 : memref<1x64xi32, #tpu.memory_space<vmem>> -> memref<64xi32, #tpu.memory_space<vmem>>
        %dma_start3A_625 = arith.constant 0 : i32
        %dma_start3A_626 = arith.constant 0 : i32
        %dma_start3A_627 = tpu.memref_slice %arg3[%dma_start3A_625, %dma_start3A_626] : memref<100000x128xf32, #tpu.memory_space<hbm>> -> memref<100000x128xf32, #tpu.memory_space<hbm>>
        tpu.enqueue_indirect_dma source(%dma_start3A_627 : memref<100000x128xf32, #tpu.memory_space<hbm>>) target(%arg7 : memref<64x128xf32, #tpu.memory_space<vmem>>) offsets(%dma_start3A_624 : memref<64xi32, #tpu.memory_space<vmem>>) semaphore(%arg17 : memref<!tpu.dma_semaphore, #tpu.memory_space<semaphore_mem>>)
      } else {
      }
      %add3A_465 = arith.constant 4 : i32
      %add3A_466 = arith.addi %mul3A_372, %add3A_465 : i32
      %dma_wait3A_467 = arith.constant 0 : i32
      %dma_wait3A_468 = tpu.memref_slice %arg5[%add3A_466, %dma_wait3A_467] : memref<100x64xi32, #tpu.memory_space<vmem>> -> memref<1x64xi32, #tpu.memory_space<vmem>>
      %dma_wait3A_469 = tpu.memref_squeeze %dma_wait3A_468 : memref<1x64xi32, #tpu.memory_space<vmem>> -> memref<64xi32, #tpu.memory_space<vmem>>
      %dma_wait3A_470 = arith.constant 0 : i32
      %dma_wait3A_471 = arith.constant 0 : i32
      %dma_wait3A_472 = tpu.memref_slice %arg3[%dma_wait3A_470, %dma_wait3A_471] : memref<100000x128xf32, #tpu.memory_space<hbm>> -> memref<100000x128xf32, #tpu.memory_space<hbm>>
      tpu.wait_indirect_dma semaphore(%arg20 : memref<!tpu.dma_semaphore, #tpu.memory_space<semaphore_mem>>) src(%dma_wait3A_472 : memref<100000x128xf32, #tpu.memory_space<hbm>>) dst(%arg10 : memref<64x128xf32, #tpu.memory_space<vmem>>)
      %mul3A_473 = arith.constant 64 : i32
      %mul3A_474 = arith.muli %add3A_466, %mul3A_473 : i32
      %add3A_475 = arith.addi %mul3A_2, %mul3A_474 : i32
      %dma_start3A_476 = arith.constant 0 : i32
      %dma_start3A_477 = tpu.memref_slice %arg4[%add3A_475, %dma_start3A_476] : memref<204800x128xf32, #tpu.memory_space<hbm>> -> memref<64x128xf32, #tpu.memory_space<hbm>>
      %dma_start3A_478 = arith.constant 0 : i32
      %dma_start3A_479 = tpu.memref_slice %arg4[%add3A_475, %dma_start3A_478] : memref<204800x128xf32, #tpu.memory_space<hbm>> -> memref<64x128xf32, #tpu.memory_space<hbm>>
      tpu.enqueue_dma source(%arg10 : memref<64x128xf32, #tpu.memory_space<vmem>>) target(%dma_start3A_479 : memref<64x128xf32, #tpu.memory_space<hbm>>) target_semaphore(%arg30 : memref<!tpu.dma_semaphore, #tpu.memory_space<semaphore_mem>>)
      %add3A_480 = arith.constant 10 : i32
      %add3A_481 = arith.addi %add3A_466, %add3A_480 : i32
      %sub3A_482 = arith.constant 2 : i32
      %sub3A_483 = arith.subi %add3A_481, %sub3A_482 : i32
      %lt3A_484 = arith.constant 100 : i32
      %lt3A_485 = arith.cmpi slt, %sub3A_483, %lt3A_484 : i32
      %convert_element_type3A_486 = arith.extui %lt3A_485 : i1 to i32
      %cond3A_487 = arith.constant 0 : i32
      %cond3A_488 = arith.cmpi ne, %convert_element_type3A_486, %cond3A_487 : i32
      scf.if %cond3A_488 {
        %sub3A_609 = arith.constant 2 : i32
        %sub3A_610 = arith.subi %add3A_466, %sub3A_609 : i32
        %mul3A_611 = arith.constant 64 : i32
        %mul3A_612 = arith.muli %sub3A_610, %mul3A_611 : i32
        %add3A_613 = arith.addi %mul3A_2, %mul3A_612 : i32
        %dma_wait3A_614 = arith.constant 0 : i32
        %dma_wait3A_615 = tpu.memref_slice %arg4[%add3A_613, %dma_wait3A_614] : memref<204800x128xf32, #tpu.memory_space<hbm>> -> memref<64x128xf32, #tpu.memory_space<hbm>>
        %dma_wait3A_616 = arith.constant 0 : i32
        %dma_wait3A_617 = tpu.memref_slice %arg4[%add3A_613, %dma_wait3A_616] : memref<204800x128xf32, #tpu.memory_space<hbm>> -> memref<64x128xf32, #tpu.memory_space<hbm>>
        tpu.wait_dma2 semaphore(%arg28 : memref<!tpu.dma_semaphore, #tpu.memory_space<semaphore_mem>>) src(%arg8 : memref<64x128xf32, #tpu.memory_space<vmem>>) dst(%dma_wait3A_617 : memref<64x128xf32, #tpu.memory_space<hbm>>)
        %add3A_618 = arith.constant 10 : i32
        %add3A_619 = arith.addi %add3A_466, %add3A_618 : i32
        %sub3A_620 = arith.constant 2 : i32
        %sub3A_621 = arith.subi %add3A_619, %sub3A_620 : i32
        %dma_start3A_622 = arith.constant 0 : i32
        %dma_start3A_623 = tpu.memref_slice %arg5[%sub3A_621, %dma_start3A_622] : memref<100x64xi32, #tpu.memory_space<vmem>> -> memref<1x64xi32, #tpu.memory_space<vmem>>
        %dma_start3A_624 = tpu.memref_squeeze %dma_start3A_623 : memref<1x64xi32, #tpu.memory_space<vmem>> -> memref<64xi32, #tpu.memory_space<vmem>>
        %dma_start3A_625 = arith.constant 0 : i32
        %dma_start3A_626 = arith.constant 0 : i32
        %dma_start3A_627 = tpu.memref_slice %arg3[%dma_start3A_625, %dma_start3A_626] : memref<100000x128xf32, #tpu.memory_space<hbm>> -> memref<100000x128xf32, #tpu.memory_space<hbm>>
        tpu.enqueue_indirect_dma source(%dma_start3A_627 : memref<100000x128xf32, #tpu.memory_space<hbm>>) target(%arg8 : memref<64x128xf32, #tpu.memory_space<vmem>>) offsets(%dma_start3A_624 : memref<64xi32, #tpu.memory_space<vmem>>) semaphore(%arg18 : memref<!tpu.dma_semaphore, #tpu.memory_space<semaphore_mem>>)
      } else {
      }
      %add3A_489 = arith.constant 5 : i32
      %add3A_490 = arith.addi %mul3A_372, %add3A_489 : i32
      %dma_wait3A_491 = arith.constant 0 : i32
      %dma_wait3A_492 = tpu.memref_slice %arg5[%add3A_490, %dma_wait3A_491] : memref<100x64xi32, #tpu.memory_space<vmem>> -> memref<1x64xi32, #tpu.memory_space<vmem>>
      %dma_wait3A_493 = tpu.memref_squeeze %dma_wait3A_492 : memref<1x64xi32, #tpu.memory_space<vmem>> -> memref<64xi32, #tpu.memory_space<vmem>>
      %dma_wait3A_494 = arith.constant 0 : i32
      %dma_wait3A_495 = arith.constant 0 : i32
      %dma_wait3A_496 = tpu.memref_slice %arg3[%dma_wait3A_494, %dma_wait3A_495] : memref<100000x128xf32, #tpu.memory_space<hbm>> -> memref<100000x128xf32, #tpu.memory_space<hbm>>
      tpu.wait_indirect_dma semaphore(%arg21 : memref<!tpu.dma_semaphore, #tpu.memory_space<semaphore_mem>>) src(%dma_wait3A_496 : memref<100000x128xf32, #tpu.memory_space<hbm>>) dst(%arg11 : memref<64x128xf32, #tpu.memory_space<vmem>>)
      %mul3A_497 = arith.constant 64 : i32
      %mul3A_498 = arith.muli %add3A_490, %mul3A_497 : i32
      %add3A_499 = arith.addi %mul3A_2, %mul3A_498 : i32
      %dma_start3A_500 = arith.constant 0 : i32
      %dma_start3A_501 = tpu.memref_slice %arg4[%add3A_499, %dma_start3A_500] : memref<204800x128xf32, #tpu.memory_space<hbm>> -> memref<64x128xf32, #tpu.memory_space<hbm>>
      %dma_start3A_502 = arith.constant 0 : i32
      %dma_start3A_503 = tpu.memref_slice %arg4[%add3A_499, %dma_start3A_502] : memref<204800x128xf32, #tpu.memory_space<hbm>> -> memref<64x128xf32, #tpu.memory_space<hbm>>
      tpu.enqueue_dma source(%arg11 : memref<64x128xf32, #tpu.memory_space<vmem>>) target(%dma_start3A_503 : memref<64x128xf32, #tpu.memory_space<hbm>>) target_semaphore(%arg31 : memref<!tpu.dma_semaphore, #tpu.memory_space<semaphore_mem>>)
      %add3A_504 = arith.constant 10 : i32
      %add3A_505 = arith.addi %add3A_490, %add3A_504 : i32
      %sub3A_506 = arith.constant 2 : i32
      %sub3A_507 = arith.subi %add3A_505, %sub3A_506 : i32
      %lt3A_508 = arith.constant 100 : i32
      %lt3A_509 = arith.cmpi slt, %sub3A_507, %lt3A_508 : i32
      %convert_element_type3A_510 = arith.extui %lt3A_509 : i1 to i32
      %cond3A_511 = arith.constant 0 : i32
      %cond3A_512 = arith.cmpi ne, %convert_element_type3A_510, %cond3A_511 : i32
      scf.if %cond3A_512 {
        %sub3A_609 = arith.constant 2 : i32
        %sub3A_610 = arith.subi %add3A_490, %sub3A_609 : i32
        %mul3A_611 = arith.constant 64 : i32
        %mul3A_612 = arith.muli %sub3A_610, %mul3A_611 : i32
        %add3A_613 = arith.addi %mul3A_2, %mul3A_612 : i32
        %dma_wait3A_614 = arith.constant 0 : i32
        %dma_wait3A_615 = tpu.memref_slice %arg4[%add3A_613, %dma_wait3A_614] : memref<204800x128xf32, #tpu.memory_space<hbm>> -> memref<64x128xf32, #tpu.memory_space<hbm>>
        %dma_wait3A_616 = arith.constant 0 : i32
        %dma_wait3A_617 = tpu.memref_slice %arg4[%add3A_613, %dma_wait3A_616] : memref<204800x128xf32, #tpu.memory_space<hbm>> -> memref<64x128xf32, #tpu.memory_space<hbm>>
        tpu.wait_dma2 semaphore(%arg29 : memref<!tpu.dma_semaphore, #tpu.memory_space<semaphore_mem>>) src(%arg9 : memref<64x128xf32, #tpu.memory_space<vmem>>) dst(%dma_wait3A_617 : memref<64x128xf32, #tpu.memory_space<hbm>>)
        %add3A_618 = arith.constant 10 : i32
        %add3A_619 = arith.addi %add3A_490, %add3A_618 : i32
        %sub3A_620 = arith.constant 2 : i32
        %sub3A_621 = arith.subi %add3A_619, %sub3A_620 : i32
        %dma_start3A_622 = arith.constant 0 : i32
        %dma_start3A_623 = tpu.memref_slice %arg5[%sub3A_621, %dma_start3A_622] : memref<100x64xi32, #tpu.memory_space<vmem>> -> memref<1x64xi32, #tpu.memory_space<vmem>>
        %dma_start3A_624 = tpu.memref_squeeze %dma_start3A_623 : memref<1x64xi32, #tpu.memory_space<vmem>> -> memref<64xi32, #tpu.memory_space<vmem>>
        %dma_start3A_625 = arith.constant 0 : i32
        %dma_start3A_626 = arith.constant 0 : i32
        %dma_start3A_627 = tpu.memref_slice %arg3[%dma_start3A_625, %dma_start3A_626] : memref<100000x128xf32, #tpu.memory_space<hbm>> -> memref<100000x128xf32, #tpu.memory_space<hbm>>
        tpu.enqueue_indirect_dma source(%dma_start3A_627 : memref<100000x128xf32, #tpu.memory_space<hbm>>) target(%arg9 : memref<64x128xf32, #tpu.memory_space<vmem>>) offsets(%dma_start3A_624 : memref<64xi32, #tpu.memory_space<vmem>>) semaphore(%arg19 : memref<!tpu.dma_semaphore, #tpu.memory_space<semaphore_mem>>)
      } else {
      }
      %add3A_513 = arith.constant 6 : i32
      %add3A_514 = arith.addi %mul3A_372, %add3A_513 : i32
      %dma_wait3A_515 = arith.constant 0 : i32
      %dma_wait3A_516 = tpu.memref_slice %arg5[%add3A_514, %dma_wait3A_515] : memref<100x64xi32, #tpu.memory_space<vmem>> -> memref<1x64xi32, #tpu.memory_space<vmem>>
      %dma_wait3A_517 = tpu.memref_squeeze %dma_wait3A_516 : memref<1x64xi32, #tpu.memory_space<vmem>> -> memref<64xi32, #tpu.memory_space<vmem>>
      %dma_wait3A_518 = arith.constant 0 : i32
      %dma_wait3A_519 = arith.constant 0 : i32
      %dma_wait3A_520 = tpu.memref_slice %arg3[%dma_wait3A_518, %dma_wait3A_519] : memref<100000x128xf32, #tpu.memory_space<hbm>> -> memref<100000x128xf32, #tpu.memory_space<hbm>>
      tpu.wait_indirect_dma semaphore(%arg22 : memref<!tpu.dma_semaphore, #tpu.memory_space<semaphore_mem>>) src(%dma_wait3A_520 : memref<100000x128xf32, #tpu.memory_space<hbm>>) dst(%arg12 : memref<64x128xf32, #tpu.memory_space<vmem>>)
      %mul3A_521 = arith.constant 64 : i32
      %mul3A_522 = arith.muli %add3A_514, %mul3A_521 : i32
      %add3A_523 = arith.addi %mul3A_2, %mul3A_522 : i32
      %dma_start3A_524 = arith.constant 0 : i32
      %dma_start3A_525 = tpu.memref_slice %arg4[%add3A_523, %dma_start3A_524] : memref<204800x128xf32, #tpu.memory_space<hbm>> -> memref<64x128xf32, #tpu.memory_space<hbm>>
      %dma_start3A_526 = arith.constant 0 : i32
      %dma_start3A_527 = tpu.memref_slice %arg4[%add3A_523, %dma_start3A_526] : memref<204800x128xf32, #tpu.memory_space<hbm>> -> memref<64x128xf32, #tpu.memory_space<hbm>>
      tpu.enqueue_dma source(%arg12 : memref<64x128xf32, #tpu.memory_space<vmem>>) target(%dma_start3A_527 : memref<64x128xf32, #tpu.memory_space<hbm>>) target_semaphore(%arg32 : memref<!tpu.dma_semaphore, #tpu.memory_space<semaphore_mem>>)
      %add3A_528 = arith.constant 10 : i32
      %add3A_529 = arith.addi %add3A_514, %add3A_528 : i32
      %sub3A_530 = arith.constant 2 : i32
      %sub3A_531 = arith.subi %add3A_529, %sub3A_530 : i32
      %lt3A_532 = arith.constant 100 : i32
      %lt3A_533 = arith.cmpi slt, %sub3A_531, %lt3A_532 : i32
      %convert_element_type3A_534 = arith.extui %lt3A_533 : i1 to i32
      %cond3A_535 = arith.constant 0 : i32
      %cond3A_536 = arith.cmpi ne, %convert_element_type3A_534, %cond3A_535 : i32
      scf.if %cond3A_536 {
        %sub3A_609 = arith.constant 2 : i32
        %sub3A_610 = arith.subi %add3A_514, %sub3A_609 : i32
        %mul3A_611 = arith.constant 64 : i32
        %mul3A_612 = arith.muli %sub3A_610, %mul3A_611 : i32
        %add3A_613 = arith.addi %mul3A_2, %mul3A_612 : i32
        %dma_wait3A_614 = arith.constant 0 : i32
        %dma_wait3A_615 = tpu.memref_slice %arg4[%add3A_613, %dma_wait3A_614] : memref<204800x128xf32, #tpu.memory_space<hbm>> -> memref<64x128xf32, #tpu.memory_space<hbm>>
        %dma_wait3A_616 = arith.constant 0 : i32
        %dma_wait3A_617 = tpu.memref_slice %arg4[%add3A_613, %dma_wait3A_616] : memref<204800x128xf32, #tpu.memory_space<hbm>> -> memref<64x128xf32, #tpu.memory_space<hbm>>
        tpu.wait_dma2 semaphore(%arg30 : memref<!tpu.dma_semaphore, #tpu.memory_space<semaphore_mem>>) src(%arg10 : memref<64x128xf32, #tpu.memory_space<vmem>>) dst(%dma_wait3A_617 : memref<64x128xf32, #tpu.memory_space<hbm>>)
        %add3A_618 = arith.constant 10 : i32
        %add3A_619 = arith.addi %add3A_514, %add3A_618 : i32
        %sub3A_620 = arith.constant 2 : i32
        %sub3A_621 = arith.subi %add3A_619, %sub3A_620 : i32
        %dma_start3A_622 = arith.constant 0 : i32
        %dma_start3A_623 = tpu.memref_slice %arg5[%sub3A_621, %dma_start3A_622] : memref<100x64xi32, #tpu.memory_space<vmem>> -> memref<1x64xi32, #tpu.memory_space<vmem>>
        %dma_start3A_624 = tpu.memref_squeeze %dma_start3A_623 : memref<1x64xi32, #tpu.memory_space<vmem>> -> memref<64xi32, #tpu.memory_space<vmem>>
        %dma_start3A_625 = arith.constant 0 : i32
        %dma_start3A_626 = arith.constant 0 : i32
        %dma_start3A_627 = tpu.memref_slice %arg3[%dma_start3A_625, %dma_start3A_626] : memref<100000x128xf32, #tpu.memory_space<hbm>> -> memref<100000x128xf32, #tpu.memory_space<hbm>>
        tpu.enqueue_indirect_dma source(%dma_start3A_627 : memref<100000x128xf32, #tpu.memory_space<hbm>>) target(%arg10 : memref<64x128xf32, #tpu.memory_space<vmem>>) offsets(%dma_start3A_624 : memref<64xi32, #tpu.memory_space<vmem>>) semaphore(%arg20 : memref<!tpu.dma_semaphore, #tpu.memory_space<semaphore_mem>>)
      } else {
      }
      %add3A_537 = arith.constant 7 : i32
      %add3A_538 = arith.addi %mul3A_372, %add3A_537 : i32
      %dma_wait3A_539 = arith.constant 0 : i32
      %dma_wait3A_540 = tpu.memref_slice %arg5[%add3A_538, %dma_wait3A_539] : memref<100x64xi32, #tpu.memory_space<vmem>> -> memref<1x64xi32, #tpu.memory_space<vmem>>
      %dma_wait3A_541 = tpu.memref_squeeze %dma_wait3A_540 : memref<1x64xi32, #tpu.memory_space<vmem>> -> memref<64xi32, #tpu.memory_space<vmem>>
      %dma_wait3A_542 = arith.constant 0 : i32
      %dma_wait3A_543 = arith.constant 0 : i32
      %dma_wait3A_544 = tpu.memref_slice %arg3[%dma_wait3A_542, %dma_wait3A_543] : memref<100000x128xf32, #tpu.memory_space<hbm>> -> memref<100000x128xf32, #tpu.memory_space<hbm>>
      tpu.wait_indirect_dma semaphore(%arg23 : memref<!tpu.dma_semaphore, #tpu.memory_space<semaphore_mem>>) src(%dma_wait3A_544 : memref<100000x128xf32, #tpu.memory_space<hbm>>) dst(%arg13 : memref<64x128xf32, #tpu.memory_space<vmem>>)
      %mul3A_545 = arith.constant 64 : i32
      %mul3A_546 = arith.muli %add3A_538, %mul3A_545 : i32
      %add3A_547 = arith.addi %mul3A_2, %mul3A_546 : i32
      %dma_start3A_548 = arith.constant 0 : i32
      %dma_start3A_549 = tpu.memref_slice %arg4[%add3A_547, %dma_start3A_548] : memref<204800x128xf32, #tpu.memory_space<hbm>> -> memref<64x128xf32, #tpu.memory_space<hbm>>
      %dma_start3A_550 = arith.constant 0 : i32
      %dma_start3A_551 = tpu.memref_slice %arg4[%add3A_547, %dma_start3A_550] : memref<204800x128xf32, #tpu.memory_space<hbm>> -> memref<64x128xf32, #tpu.memory_space<hbm>>
      tpu.enqueue_dma source(%arg13 : memref<64x128xf32, #tpu.memory_space<vmem>>) target(%dma_start3A_551 : memref<64x128xf32, #tpu.memory_space<hbm>>) target_semaphore(%arg33 : memref<!tpu.dma_semaphore, #tpu.memory_space<semaphore_mem>>)
      %add3A_552 = arith.constant 10 : i32
      %add3A_553 = arith.addi %add3A_538, %add3A_552 : i32
      %sub3A_554 = arith.constant 2 : i32
      %sub3A_555 = arith.subi %add3A_553, %sub3A_554 : i32
      %lt3A_556 = arith.constant 100 : i32
      %lt3A_557 = arith.cmpi slt, %sub3A_555, %lt3A_556 : i32
      %convert_element_type3A_558 = arith.extui %lt3A_557 : i1 to i32
      %cond3A_559 = arith.constant 0 : i32
      %cond3A_560 = arith.cmpi ne, %convert_element_type3A_558, %cond3A_559 : i32
      scf.if %cond3A_560 {
        %sub3A_609 = arith.constant 2 : i32
        %sub3A_610 = arith.subi %add3A_538, %sub3A_609 : i32
        %mul3A_611 = arith.constant 64 : i32
        %mul3A_612 = arith.muli %sub3A_610, %mul3A_611 : i32
        %add3A_613 = arith.addi %mul3A_2, %mul3A_612 : i32
        %dma_wait3A_614 = arith.constant 0 : i32
        %dma_wait3A_615 = tpu.memref_slice %arg4[%add3A_613, %dma_wait3A_614] : memref<204800x128xf32, #tpu.memory_space<hbm>> -> memref<64x128xf32, #tpu.memory_space<hbm>>
        %dma_wait3A_616 = arith.constant 0 : i32
        %dma_wait3A_617 = tpu.memref_slice %arg4[%add3A_613, %dma_wait3A_616] : memref<204800x128xf32, #tpu.memory_space<hbm>> -> memref<64x128xf32, #tpu.memory_space<hbm>>
        tpu.wait_dma2 semaphore(%arg31 : memref<!tpu.dma_semaphore, #tpu.memory_space<semaphore_mem>>) src(%arg11 : memref<64x128xf32, #tpu.memory_space<vmem>>) dst(%dma_wait3A_617 : memref<64x128xf32, #tpu.memory_space<hbm>>)
        %add3A_618 = arith.constant 10 : i32
        %add3A_619 = arith.addi %add3A_538, %add3A_618 : i32
        %sub3A_620 = arith.constant 2 : i32
        %sub3A_621 = arith.subi %add3A_619, %sub3A_620 : i32
        %dma_start3A_622 = arith.constant 0 : i32
        %dma_start3A_623 = tpu.memref_slice %arg5[%sub3A_621, %dma_start3A_622] : memref<100x64xi32, #tpu.memory_space<vmem>> -> memref<1x64xi32, #tpu.memory_space<vmem>>
        %dma_start3A_624 = tpu.memref_squeeze %dma_start3A_623 : memref<1x64xi32, #tpu.memory_space<vmem>> -> memref<64xi32, #tpu.memory_space<vmem>>
        %dma_start3A_625 = arith.constant 0 : i32
        %dma_start3A_626 = arith.constant 0 : i32
        %dma_start3A_627 = tpu.memref_slice %arg3[%dma_start3A_625, %dma_start3A_626] : memref<100000x128xf32, #tpu.memory_space<hbm>> -> memref<100000x128xf32, #tpu.memory_space<hbm>>
        tpu.enqueue_indirect_dma source(%dma_start3A_627 : memref<100000x128xf32, #tpu.memory_space<hbm>>) target(%arg11 : memref<64x128xf32, #tpu.memory_space<vmem>>) offsets(%dma_start3A_624 : memref<64xi32, #tpu.memory_space<vmem>>) semaphore(%arg21 : memref<!tpu.dma_semaphore, #tpu.memory_space<semaphore_mem>>)
      } else {
      }
      %add3A_561 = arith.constant 8 : i32
      %add3A_562 = arith.addi %mul3A_372, %add3A_561 : i32
      %dma_wait3A_563 = arith.constant 0 : i32
      %dma_wait3A_564 = tpu.memref_slice %arg5[%add3A_562, %dma_wait3A_563] : memref<100x64xi32, #tpu.memory_space<vmem>> -> memref<1x64xi32, #tpu.memory_space<vmem>>
      %dma_wait3A_565 = tpu.memref_squeeze %dma_wait3A_564 : memref<1x64xi32, #tpu.memory_space<vmem>> -> memref<64xi32, #tpu.memory_space<vmem>>
      %dma_wait3A_566 = arith.constant 0 : i32
      %dma_wait3A_567 = arith.constant 0 : i32
      %dma_wait3A_568 = tpu.memref_slice %arg3[%dma_wait3A_566, %dma_wait3A_567] : memref<100000x128xf32, #tpu.memory_space<hbm>> -> memref<100000x128xf32, #tpu.memory_space<hbm>>
      tpu.wait_indirect_dma semaphore(%arg24 : memref<!tpu.dma_semaphore, #tpu.memory_space<semaphore_mem>>) src(%dma_wait3A_568 : memref<100000x128xf32, #tpu.memory_space<hbm>>) dst(%arg14 : memref<64x128xf32, #tpu.memory_space<vmem>>)
      %mul3A_569 = arith.constant 64 : i32
      %mul3A_570 = arith.muli %add3A_562, %mul3A_569 : i32
      %add3A_571 = arith.addi %mul3A_2, %mul3A_570 : i32
      %dma_start3A_572 = arith.constant 0 : i32
      %dma_start3A_573 = tpu.memref_slice %arg4[%add3A_571, %dma_start3A_572] : memref<204800x128xf32, #tpu.memory_space<hbm>> -> memref<64x128xf32, #tpu.memory_space<hbm>>
      %dma_start3A_574 = arith.constant 0 : i32
      %dma_start3A_575 = tpu.memref_slice %arg4[%add3A_571, %dma_start3A_574] : memref<204800x128xf32, #tpu.memory_space<hbm>> -> memref<64x128xf32, #tpu.memory_space<hbm>>
      tpu.enqueue_dma source(%arg14 : memref<64x128xf32, #tpu.memory_space<vmem>>) target(%dma_start3A_575 : memref<64x128xf32, #tpu.memory_space<hbm>>) target_semaphore(%arg34 : memref<!tpu.dma_semaphore, #tpu.memory_space<semaphore_mem>>)
      %add3A_576 = arith.constant 10 : i32
      %add3A_577 = arith.addi %add3A_562, %add3A_576 : i32
      %sub3A_578 = arith.constant 2 : i32
      %sub3A_579 = arith.subi %add3A_577, %sub3A_578 : i32
      %lt3A_580 = arith.constant 100 : i32
      %lt3A_581 = arith.cmpi slt, %sub3A_579, %lt3A_580 : i32
      %convert_element_type3A_582 = arith.extui %lt3A_581 : i1 to i32
      %cond3A_583 = arith.constant 0 : i32
      %cond3A_584 = arith.cmpi ne, %convert_element_type3A_582, %cond3A_583 : i32
      scf.if %cond3A_584 {
        %sub3A_609 = arith.constant 2 : i32
        %sub3A_610 = arith.subi %add3A_562, %sub3A_609 : i32
        %mul3A_611 = arith.constant 64 : i32
        %mul3A_612 = arith.muli %sub3A_610, %mul3A_611 : i32
        %add3A_613 = arith.addi %mul3A_2, %mul3A_612 : i32
        %dma_wait3A_614 = arith.constant 0 : i32
        %dma_wait3A_615 = tpu.memref_slice %arg4[%add3A_613, %dma_wait3A_614] : memref<204800x128xf32, #tpu.memory_space<hbm>> -> memref<64x128xf32, #tpu.memory_space<hbm>>
        %dma_wait3A_616 = arith.constant 0 : i32
        %dma_wait3A_617 = tpu.memref_slice %arg4[%add3A_613, %dma_wait3A_616] : memref<204800x128xf32, #tpu.memory_space<hbm>> -> memref<64x128xf32, #tpu.memory_space<hbm>>
        tpu.wait_dma2 semaphore(%arg32 : memref<!tpu.dma_semaphore, #tpu.memory_space<semaphore_mem>>) src(%arg12 : memref<64x128xf32, #tpu.memory_space<vmem>>) dst(%dma_wait3A_617 : memref<64x128xf32, #tpu.memory_space<hbm>>)
        %add3A_618 = arith.constant 10 : i32
        %add3A_619 = arith.addi %add3A_562, %add3A_618 : i32
        %sub3A_620 = arith.constant 2 : i32
        %sub3A_621 = arith.subi %add3A_619, %sub3A_620 : i32
        %dma_start3A_622 = arith.constant 0 : i32
        %dma_start3A_623 = tpu.memref_slice %arg5[%sub3A_621, %dma_start3A_622] : memref<100x64xi32, #tpu.memory_space<vmem>> -> memref<1x64xi32, #tpu.memory_space<vmem>>
        %dma_start3A_624 = tpu.memref_squeeze %dma_start3A_623 : memref<1x64xi32, #tpu.memory_space<vmem>> -> memref<64xi32, #tpu.memory_space<vmem>>
        %dma_start3A_625 = arith.constant 0 : i32
        %dma_start3A_626 = arith.constant 0 : i32
        %dma_start3A_627 = tpu.memref_slice %arg3[%dma_start3A_625, %dma_start3A_626] : memref<100000x128xf32, #tpu.memory_space<hbm>> -> memref<100000x128xf32, #tpu.memory_space<hbm>>
        tpu.enqueue_indirect_dma source(%dma_start3A_627 : memref<100000x128xf32, #tpu.memory_space<hbm>>) target(%arg12 : memref<64x128xf32, #tpu.memory_space<vmem>>) offsets(%dma_start3A_624 : memref<64xi32, #tpu.memory_space<vmem>>) semaphore(%arg22 : memref<!tpu.dma_semaphore, #tpu.memory_space<semaphore_mem>>)
      } else {
      }
      %add3A_585 = arith.constant 9 : i32
      %add3A_586 = arith.addi %mul3A_372, %add3A_585 : i32
      %dma_wait3A_587 = arith.constant 0 : i32
      %dma_wait3A_588 = tpu.memref_slice %arg5[%add3A_586, %dma_wait3A_587] : memref<100x64xi32, #tpu.memory_space<vmem>> -> memref<1x64xi32, #tpu.memory_space<vmem>>
      %dma_wait3A_589 = tpu.memref_squeeze %dma_wait3A_588 : memref<1x64xi32, #tpu.memory_space<vmem>> -> memref<64xi32, #tpu.memory_space<vmem>>
      %dma_wait3A_590 = arith.constant 0 : i32
      %dma_wait3A_591 = arith.constant 0 : i32
      %dma_wait3A_592 = tpu.memref_slice %arg3[%dma_wait3A_590, %dma_wait3A_591] : memref<100000x128xf32, #tpu.memory_space<hbm>> -> memref<100000x128xf32, #tpu.memory_space<hbm>>
      tpu.wait_indirect_dma semaphore(%arg25 : memref<!tpu.dma_semaphore, #tpu.memory_space<semaphore_mem>>) src(%dma_wait3A_592 : memref<100000x128xf32, #tpu.memory_space<hbm>>) dst(%arg15 : memref<64x128xf32, #tpu.memory_space<vmem>>)
      %mul3A_593 = arith.constant 64 : i32
      %mul3A_594 = arith.muli %add3A_586, %mul3A_593 : i32
      %add3A_595 = arith.addi %mul3A_2, %mul3A_594 : i32
      %dma_start3A_596 = arith.constant 0 : i32
      %dma_start3A_597 = tpu.memref_slice %arg4[%add3A_595, %dma_start3A_596] : memref<204800x128xf32, #tpu.memory_space<hbm>> -> memref<64x128xf32, #tpu.memory_space<hbm>>
      %dma_start3A_598 = arith.constant 0 : i32
      %dma_start3A_599 = tpu.memref_slice %arg4[%add3A_595, %dma_start3A_598] : memref<204800x128xf32, #tpu.memory_space<hbm>> -> memref<64x128xf32, #tpu.memory_space<hbm>>
      tpu.enqueue_dma source(%arg15 : memref<64x128xf32, #tpu.memory_space<vmem>>) target(%dma_start3A_599 : memref<64x128xf32, #tpu.memory_space<hbm>>) target_semaphore(%arg35 : memref<!tpu.dma_semaphore, #tpu.memory_space<semaphore_mem>>)
      %add3A_600 = arith.constant 10 : i32
      %add3A_601 = arith.addi %add3A_586, %add3A_600 : i32
      %sub3A_602 = arith.constant 2 : i32
      %sub3A_603 = arith.subi %add3A_601, %sub3A_602 : i32
      %lt3A_604 = arith.constant 100 : i32
      %lt3A_605 = arith.cmpi slt, %sub3A_603, %lt3A_604 : i32
      %convert_element_type3A_606 = arith.extui %lt3A_605 : i1 to i32
      %cond3A_607 = arith.constant 0 : i32
      %cond3A_608 = arith.cmpi ne, %convert_element_type3A_606, %cond3A_607 : i32
      scf.if %cond3A_608 {
        %sub3A_609 = arith.constant 2 : i32
        %sub3A_610 = arith.subi %add3A_586, %sub3A_609 : i32
        %mul3A_611 = arith.constant 64 : i32
        %mul3A_612 = arith.muli %sub3A_610, %mul3A_611 : i32
        %add3A_613 = arith.addi %mul3A_2, %mul3A_612 : i32
        %dma_wait3A_614 = arith.constant 0 : i32
        %dma_wait3A_615 = tpu.memref_slice %arg4[%add3A_613, %dma_wait3A_614] : memref<204800x128xf32, #tpu.memory_space<hbm>> -> memref<64x128xf32, #tpu.memory_space<hbm>>
        %dma_wait3A_616 = arith.constant 0 : i32
        %dma_wait3A_617 = tpu.memref_slice %arg4[%add3A_613, %dma_wait3A_616] : memref<204800x128xf32, #tpu.memory_space<hbm>> -> memref<64x128xf32, #tpu.memory_space<hbm>>
        tpu.wait_dma2 semaphore(%arg33 : memref<!tpu.dma_semaphore, #tpu.memory_space<semaphore_mem>>) src(%arg13 : memref<64x128xf32, #tpu.memory_space<vmem>>) dst(%dma_wait3A_617 : memref<64x128xf32, #tpu.memory_space<hbm>>)
        %add3A_618 = arith.constant 10 : i32
        %add3A_619 = arith.addi %add3A_586, %add3A_618 : i32
        %sub3A_620 = arith.constant 2 : i32
        %sub3A_621 = arith.subi %add3A_619, %sub3A_620 : i32
        %dma_start3A_622 = arith.constant 0 : i32
        %dma_start3A_623 = tpu.memref_slice %arg5[%sub3A_621, %dma_start3A_622] : memref<100x64xi32, #tpu.memory_space<vmem>> -> memref<1x64xi32, #tpu.memory_space<vmem>>
        %dma_start3A_624 = tpu.memref_squeeze %dma_start3A_623 : memref<1x64xi32, #tpu.memory_space<vmem>> -> memref<64xi32, #tpu.memory_space<vmem>>
        %dma_start3A_625 = arith.constant 0 : i32
        %dma_start3A_626 = arith.constant 0 : i32
        %dma_start3A_627 = tpu.memref_slice %arg3[%dma_start3A_625, %dma_start3A_626] : memref<100000x128xf32, #tpu.memory_space<hbm>> -> memref<100000x128xf32, #tpu.memory_space<hbm>>
        tpu.enqueue_indirect_dma source(%dma_start3A_627 : memref<100000x128xf32, #tpu.memory_space<hbm>>) target(%arg13 : memref<64x128xf32, #tpu.memory_space<vmem>>) offsets(%dma_start3A_624 : memref<64xi32, #tpu.memory_space<vmem>>) semaphore(%arg23 : memref<!tpu.dma_semaphore, #tpu.memory_space<semaphore_mem>>)
      } else {
      }
    }
    %scan3A_309 = arith.constant 9 : i32
    %add3A_310 = arith.constant 5760 : i32
    %add3A_311 = arith.addi %mul3A_2, %add3A_310 : i32
    %dma_wait3A_312 = arith.constant 0 : i32
    %dma_wait3A_313 = tpu.memref_slice %arg4[%add3A_311, %dma_wait3A_312] : memref<204800x128xf32, #tpu.memory_space<hbm>> -> memref<64x128xf32, #tpu.memory_space<hbm>>
    %dma_wait3A_314 = arith.constant 0 : i32
    %dma_wait3A_315 = tpu.memref_slice %arg4[%add3A_311, %dma_wait3A_314] : memref<204800x128xf32, #tpu.memory_space<hbm>> -> memref<64x128xf32, #tpu.memory_space<hbm>>
    tpu.wait_dma2 semaphore(%arg26 : memref<!tpu.dma_semaphore, #tpu.memory_space<semaphore_mem>>) src(%arg6 : memref<64x128xf32, #tpu.memory_space<vmem>>) dst(%dma_wait3A_315 : memref<64x128xf32, #tpu.memory_space<hbm>>)
    %add3A_316 = arith.constant 5824 : i32
    %add3A_317 = arith.addi %mul3A_2, %add3A_316 : i32
    %dma_wait3A_318 = arith.constant 0 : i32
    %dma_wait3A_319 = tpu.memref_slice %arg4[%add3A_317, %dma_wait3A_318] : memref<204800x128xf32, #tpu.memory_space<hbm>> -> memref<64x128xf32, #tpu.memory_space<hbm>>
    %dma_wait3A_320 = arith.constant 0 : i32
    %dma_wait3A_321 = tpu.memref_slice %arg4[%add3A_317, %dma_wait3A_320] : memref<204800x128xf32, #tpu.memory_space<hbm>> -> memref<64x128xf32, #tpu.memory_space<hbm>>
    tpu.wait_dma2 semaphore(%arg27 : memref<!tpu.dma_semaphore, #tpu.memory_space<semaphore_mem>>) src(%arg7 : memref<64x128xf32, #tpu.memory_space<vmem>>) dst(%dma_wait3A_321 : memref<64x128xf32, #tpu.memory_space<hbm>>)
    %add3A_322 = arith.constant 5888 : i32
    %add3A_323 = arith.addi %mul3A_2, %add3A_322 : i32
    %dma_wait3A_324 = arith.constant 0 : i32
    %dma_wait3A_325 = tpu.memref_slice %arg4[%add3A_323, %dma_wait3A_324] : memref<204800x128xf32, #tpu.memory_space<hbm>> -> memref<64x128xf32, #tpu.memory_space<hbm>>
    %dma_wait3A_326 = arith.constant 0 : i32
    %dma_wait3A_327 = tpu.memref_slice %arg4[%add3A_323, %dma_wait3A_326] : memref<204800x128xf32, #tpu.memory_space<hbm>> -> memref<64x128xf32, #tpu.memory_space<hbm>>
    tpu.wait_dma2 semaphore(%arg28 : memref<!tpu.dma_semaphore, #tpu.memory_space<semaphore_mem>>) src(%arg8 : memref<64x128xf32, #tpu.memory_space<vmem>>) dst(%dma_wait3A_327 : memref<64x128xf32, #tpu.memory_space<hbm>>)
    %add3A_328 = arith.constant 5952 : i32
    %add3A_329 = arith.addi %mul3A_2, %add3A_328 : i32
    %dma_wait3A_330 = arith.constant 0 : i32
    %dma_wait3A_331 = tpu.memref_slice %arg4[%add3A_329, %dma_wait3A_330] : memref<204800x128xf32, #tpu.memory_space<hbm>> -> memref<64x128xf32, #tpu.memory_space<hbm>>
    %dma_wait3A_332 = arith.constant 0 : i32
    %dma_wait3A_333 = tpu.memref_slice %arg4[%add3A_329, %dma_wait3A_332] : memref<204800x128xf32, #tpu.memory_space<hbm>> -> memref<64x128xf32, #tpu.memory_space<hbm>>
    tpu.wait_dma2 semaphore(%arg29 : memref<!tpu.dma_semaphore, #tpu.memory_space<semaphore_mem>>) src(%arg9 : memref<64x128xf32, #tpu.memory_space<vmem>>) dst(%dma_wait3A_333 : memref<64x128xf32, #tpu.memory_space<hbm>>)
    %add3A_334 = arith.constant 6016 : i32
    %add3A_335 = arith.addi %mul3A_2, %add3A_334 : i32
    %dma_wait3A_336 = arith.constant 0 : i32
    %dma_wait3A_337 = tpu.memref_slice %arg4[%add3A_335, %dma_wait3A_336] : memref<204800x128xf32, #tpu.memory_space<hbm>> -> memref<64x128xf32, #tpu.memory_space<hbm>>
    %dma_wait3A_338 = arith.constant 0 : i32
    %dma_wait3A_339 = tpu.memref_slice %arg4[%add3A_335, %dma_wait3A_338] : memref<204800x128xf32, #tpu.memory_space<hbm>> -> memref<64x128xf32, #tpu.memory_space<hbm>>
    tpu.wait_dma2 semaphore(%arg30 : memref<!tpu.dma_semaphore, #tpu.memory_space<semaphore_mem>>) src(%arg10 : memref<64x128xf32, #tpu.memory_space<vmem>>) dst(%dma_wait3A_339 : memref<64x128xf32, #tpu.memory_space<hbm>>)
    %add3A_340 = arith.constant 6080 : i32
    %add3A_341 = arith.addi %mul3A_2, %add3A_340 : i32
    %dma_wait3A_342 = arith.constant 0 : i32
    %dma_wait3A_343 = tpu.memref_slice %arg4[%add3A_341, %dma_wait3A_342] : memref<204800x128xf32, #tpu.memory_space<hbm>> -> memref<64x128xf32, #tpu.memory_space<hbm>>
    %dma_wait3A_344 = arith.constant 0 : i32
    %dma_wait3A_345 = tpu.memref_slice %arg4[%add3A_341, %dma_wait3A_344] : memref<204800x128xf32, #tpu.memory_space<hbm>> -> memref<64x128xf32, #tpu.memory_space<hbm>>
    tpu.wait_dma2 semaphore(%arg31 : memref<!tpu.dma_semaphore, #tpu.memory_space<semaphore_mem>>) src(%arg11 : memref<64x128xf32, #tpu.memory_space<vmem>>) dst(%dma_wait3A_345 : memref<64x128xf32, #tpu.memory_space<hbm>>)
    %add3A_346 = arith.constant 6144 : i32
    %add3A_347 = arith.addi %mul3A_2, %add3A_346 : i32
    %dma_wait3A_348 = arith.constant 0 : i32
    %dma_wait3A_349 = tpu.memref_slice %arg4[%add3A_347, %dma_wait3A_348] : memref<204800x128xf32, #tpu.memory_space<hbm>> -> memref<64x128xf32, #tpu.memory_space<hbm>>
    %dma_wait3A_350 = arith.constant 0 : i32
    %dma_wait3A_351 = tpu.memref_slice %arg4[%add3A_347, %dma_wait3A_350] : memref<204800x128xf32, #tpu.memory_space<hbm>> -> memref<64x128xf32, #tpu.memory_space<hbm>>
    tpu.wait_dma2 semaphore(%arg32 : memref<!tpu.dma_semaphore, #tpu.memory_space<semaphore_mem>>) src(%arg12 : memref<64x128xf32, #tpu.memory_space<vmem>>) dst(%dma_wait3A_351 : memref<64x128xf32, #tpu.memory_space<hbm>>)
    %add3A_352 = arith.constant 6208 : i32
    %add3A_353 = arith.addi %mul3A_2, %add3A_352 : i32
    %dma_wait3A_354 = arith.constant 0 : i32
    %dma_wait3A_355 = tpu.memref_slice %arg4[%add3A_353, %dma_wait3A_354] : memref<204800x128xf32, #tpu.memory_space<hbm>> -> memref<64x128xf32, #tpu.memory_space<hbm>>
    %dma_wait3A_356 = arith.constant 0 : i32
    %dma_wait3A_357 = tpu.memref_slice %arg4[%add3A_353, %dma_wait3A_356] : memref<204800x128xf32, #tpu.memory_space<hbm>> -> memref<64x128xf32, #tpu.memory_space<hbm>>
    tpu.wait_dma2 semaphore(%arg33 : memref<!tpu.dma_semaphore, #tpu.memory_space<semaphore_mem>>) src(%arg13 : memref<64x128xf32, #tpu.memory_space<vmem>>) dst(%dma_wait3A_357 : memref<64x128xf32, #tpu.memory_space<hbm>>)
    %add3A_358 = arith.constant 6272 : i32
    %add3A_359 = arith.addi %mul3A_2, %add3A_358 : i32
    %dma_wait3A_360 = arith.constant 0 : i32
    %dma_wait3A_361 = tpu.memref_slice %arg4[%add3A_359, %dma_wait3A_360] : memref<204800x128xf32, #tpu.memory_space<hbm>> -> memref<64x128xf32, #tpu.memory_space<hbm>>
    %dma_wait3A_362 = arith.constant 0 : i32
    %dma_wait3A_363 = tpu.memref_slice %arg4[%add3A_359, %dma_wait3A_362] : memref<204800x128xf32, #tpu.memory_space<hbm>> -> memref<64x128xf32, #tpu.memory_space<hbm>>
    tpu.wait_dma2 semaphore(%arg34 : memref<!tpu.dma_semaphore, #tpu.memory_space<semaphore_mem>>) src(%arg14 : memref<64x128xf32, #tpu.memory_space<vmem>>) dst(%dma_wait3A_363 : memref<64x128xf32, #tpu.memory_space<hbm>>)
    %add3A_364 = arith.constant 6336 : i32
    %add3A_365 = arith.addi %mul3A_2, %add3A_364 : i32
    %dma_wait3A_366 = arith.constant 0 : i32
    %dma_wait3A_367 = tpu.memref_slice %arg4[%add3A_365, %dma_wait3A_366] : memref<204800x128xf32, #tpu.memory_space<hbm>> -> memref<64x128xf32, #tpu.memory_space<hbm>>
    %dma_wait3A_368 = arith.constant 0 : i32
    %dma_wait3A_369 = tpu.memref_slice %arg4[%add3A_365, %dma_wait3A_368] : memref<204800x128xf32, #tpu.memory_space<hbm>> -> memref<64x128xf32, #tpu.memory_space<hbm>>
    tpu.wait_dma2 semaphore(%arg35 : memref<!tpu.dma_semaphore, #tpu.memory_space<semaphore_mem>>) src(%arg15 : memref<64x128xf32, #tpu.memory_space<vmem>>) dst(%dma_wait3A_369 : memref<64x128xf32, #tpu.memory_space<hbm>>)
    return
  }
}

</mosaic_0001>

<sc_bundles>
// kernel: kernel.3.cloned.1.call-start
scs
__scs_entry_jumppad:
0x0: {  	(pc) =	sbr.rel $0x88, $3  }
0x1: {  	(tag) =	ssettag $0x0;
	lr =	simm.s32 $0x1  }
0x2: {  	[smem:$0x3F9F] =	sst lr;
	_ =	strace $0xD0000000  }
0x3: {  	_ = 	snop  }
0x4: {  	_ = 	snop  }
0x5: {  	_ = 	snop  }
0x6: {  	_ = 	snop  }
0x7: {  	_ = 	snop  }
__scs_overlays_trampoline_lowered:
0x8: {  	[smem:$0x3FAE] =	sst s0  }
0x9: {  	[smem:$0x3FAF] =	sst s1  }
0xa: {  	[smem:$0x3FB0] =	sst s2  }
0xb: {  	[smem:$0x3FB1] =	sst s3  }
0xc: {  	[smem:$0x3FB2] =	sst s4  }
0xd: {  	[smem:$0x3FB3] =	sst s5  }
0xe: {  	[smem:$0x3FB4] =	sst s6  }
0xf: {  	[smem:$0x3FB5] =	sst s7  }
0x10: {  	[smem:$0x3FB6] =	sst s8  }
0x11: {  	[smem:$0x3FB7] =	sst s9;
	s0 =	simm.s32 @!p0 $0x0  }
0x12: {  	s1 =	sld [smem:$0x3F9D];
	s0 =	simm.s32 @p0 $0x1  }
0x13: {  	[smem:$0x3FB8] =	sst s0;
	s0 =	simm.s32 @!p1 $0x0  }
0x14: {  	s2 =	sld [smem:$0x3F9C];
	s0 =	simm.s32 @p1 $0x1  }
0x15: {  	[smem:$0x3FB9] =	sst s0;
	s0 =	simm.s32 @!p2 $0x0  }
0x16: {  	s3 =	sld [smem:$0x3FDB];
	s0 =	simm.s32 @p2 $0x1  }
0x17: {  	s4 =	simm.s32 $0x1BF5;
	[smem:$0x3FBB] =	sst s0  }
0x18: {  	s0 =	sld [smem:$0x3F9E];
	_ =	swait.ge [sflag:s4], $0x0  }
0x19: {  	s7 =	sld [smem:$0x3F9F]  }
0x1a: {  	s8 =	sadd.s32 $0xFFFFE003, lr  }
0x1b: {  	s9 =	sadd.s32 $0xFFFFFEF7, lr;
	s5 =	simm.s32 $0xFFFFFFFF;
	p2 =	slt.u32 s8, $0xFFFFF086  }
0x1c: {  	p1 =	slt.u32 s9, $0xF7A;
	s5 =	simm.s32 @!p2 $0x0  }
0x1d: {  	s5 =	simm.s32 @p1 $0x1;
	p0 =	seq.s32 s7, s2  }
0x1e: {  	s7 =	smul.u32 @!p0 $0xF7A, s2;
	p2 =	seq.s32 @!p0 s5, $0x0  }
0x1f: {  	s9 =	smul.u32 $0xF7A, s1;
	s8 =	simm.s32 @!p0 $0x1BF5;
	p2 =	por !p2, p0  }
0x20: {  	[sflag:s8] =	ssyncset.s32 @!p0 $0xFFFFF086;
	s6 =	sadd.s32 @!p0 s3, s7;
	s7 =	simm.s32 @!p0 $0x108  }
0x21: {  	s3 =	sadd.s32 s3, s9;
	s6 =	sadd.s32 @!p0 $0x88, s6;
	s7 =	simm.s32 @p2 $0x1082  }
0x22: {  	[simem:s7], [sflag:s8] =	dma.local @!p0 [hbm:s6], $0xF7A  }
0x23: {  	s9 =	sor.u32 $0xD0000000, s2;
	s6 =	simm.s32 $0x108;
	_ =	swait.ge @!p0 [sflag:s8], $0x0  }
0x24: {  	s3 =	sadd.s32 $0x88, s3;
	s6 =	simm.s32 @!p1 $0x1082;
	[sflag:s4] =	ssyncset.s32 $0xFFFFF086  }
0x25: {  	[simem:s6], [sflag:s4] =	dma.local [hbm:s3], $0xF7A  }
0x26: {  	[smem:$0x3F9F] =	sst s1;
	(tag) =	ssettag s2;
	_ =	strace s9  }
0x27: {  	s1 =	sld [smem:$0x3FAF]  }
0x28: {  	s2 =	sld [smem:$0x3FB0]  }
0x29: {  	s4 =	sld [smem:$0x3FB2]  }
0x2a: {  	p0 =	seq.s32 s5, $0x0;
	s5 =	sld [smem:$0x3FB3]  }
0x2b: {  	s6 =	sld [smem:$0x3FB4]  }
0x2c: {  	s7 =	sld [smem:$0x3FB5]  }
0x2d: {  	s3 =	simm.s32 $0x108;
	s8 =	sld [smem:$0x3FB6]  }
0x2e: {  	s3 =	simm.s32 @!p0 $0x1082;
	s9 =	sld [smem:$0x3FB7]  }
0x2f: {  	lr =	sadd.s32 s0, s3;
	s0 =	sld [smem:$0x3FAE]  }
0x30: {  	s3 =	sld [smem:$0x3FB1]  }
0x31: {  	[smem:$0x3FBA] =	sst s10  }
0x32: {  	s10 =	sld [smem:$0x3FB8];
	_ =	sdelay $0x3  }
0x33: {  	p0 =	seq.s32 s10, $0x1;
	s10 =	sld [smem:$0x3FBA];
	_ =	sdelay $0x3  }
0x34: {  	[smem:$0x3FBA] =	sst s10  }
0x35: {  	s10 =	sld [smem:$0x3FB9];
	_ =	sdelay $0x3  }
0x36: {  	p1 =	seq.s32 s10, $0x1;
	s10 =	sld [smem:$0x3FBA];
	_ =	sdelay $0x3  }
0x37: {  	[smem:$0x3FBA] =	sst s10  }
0x38: {  	s10 =	sld [smem:$0x3FBB]  }
0x39: {  	_ = 	snop;
	(pc) =	sbr.ind lr, $3  }
0x3a: {  	_ = 	snop  }
0x3b: {  	_ = 	snop  }
0x3c: {  	p2 =	seq.s32 s10, $0x1;
	s10 =	sld [smem:$0x3FBA]  }
0x3d: {  	_ =	shalt  }
0x3e: {  	_ =	shalt  }
0x3f: {  	_ =	shalt  }
0x40: {  	_ =	shalt  }
0x41: {  	_ =	shalt  }
0x42: {  	_ =	shalt  }
0x43: {  	_ =	shalt  }
0x44: {  	_ =	shalt  }
0x45: {  	_ =	shalt  }
0x46: {  	_ =	shalt  }
0x47: {  	_ =	shalt  }
0x48: {  	_ =	shalt  }
0x49: {  	_ =	shalt  }
0x4a: {  	_ =	shalt  }
0x4b: {  	_ =	shalt  }
0x4c: {  	_ =	shalt  }
0x4d: {  	_ =	shalt  }
0x4e: {  	_ =	shalt  }
0x4f: {  	_ =	shalt  }
0x50: {  	_ =	shalt  }
0x51: {  	_ =	shalt  }
0x52: {  	_ =	shalt  }
0x53: {  	_ =	shalt  }
0x54: {  	_ =	shalt  }
0x55: {  	_ =	shalt  }
0x56: {  	_ =	shalt  }
0x57: {  	_ =	shalt  }
0x58: {  	_ =	shalt  }
0x59: {  	_ =	shalt  }
0x5a: {  	_ =	shalt  }
0x5b: {  	_ =	shalt  }
0x5c: {  	_ =	shalt  }
0x5d: {  	_ =	shalt  }
0x5e: {  	_ =	shalt  }
0x5f: {  	_ =	shalt  }
0x60: {  	_ =	shalt  }
0x61: {  	_ =	shalt  }
0x62: {  	_ =	shalt  }
0x63: {  	_ =	shalt  }
0x64: {  	_ =	shalt  }
0x65: {  	_ =	shalt  }
0x66: {  	_ =	shalt  }
0x67: {  	_ =	shalt  }
0x68: {  	_ =	shalt  }
0x69: {  	_ =	shalt  }
0x6a: {  	_ =	shalt  }
0x6b: {  	_ =	shalt  }
0x6c: {  	_ =	shalt  }
0x6d: {  	_ =	shalt  }
0x6e: {  	_ =	shalt  }
0x6f: {  	_ =	shalt  }
0x70: {  	_ =	shalt  }
0x71: {  	_ =	shalt  }
0x72: {  	_ =	shalt  }
0x73: {  	_ =	shalt  }
0x74: {  	_ =	shalt  }
0x75: {  	_ =	shalt  }
0x76: {  	_ =	shalt  }
0x77: {  	_ =	shalt  }
0x78: {  	_ =	shalt  }
0x79: {  	_ =	shalt  }
0x7a: {  	_ =	shalt  }
0x7b: {  	_ =	shalt  }
0x7c: {  	_ =	shalt  }
0x7d: {  	_ =	shalt  }
0x7e: {  	_ =	shalt  }
0x7f: {  	_ =	shalt  }
0x80: {  	_ =	shalt  }
0x81: {  	_ =	shalt  }
0x82: {  	_ =	shalt  }
0x83: {  	_ =	shalt  }
0x84: {  	_ =	shalt  }
0x85: {  	_ =	shalt  }
0x86: {  	_ =	shalt  }
0x87: {  	_ =	shalt  }
.Lfunc_end0:
.L_simem_size_0:
called_computation_lowered:
.L_overlay_start_0:
0x88: {  	s2 =	sld [smem:$0x3FD9]  }
0x89: {  	s3 =	sld [smem:$0x3FFE];
	_ =	sdelay $0x1  }
0x8a: {  	s1 =	srdreg.scid  }
0x8b: {  	s0 =	sand.u32 $0x1, s1  }
0x8c: {  	s17 =	sshll.u32 s0, $0xA;
	s2 =	sadd.s32 s3, s2  }
0x8d: {  	s2 =	sadd.s32 s2, s17  }
0x8e: {  	[smem:$0x3FC6] =	sst s2  }
0x8f: {  	_ = 	snop  }
0x90: {  	s2 =	sld [smem:$0x3FC8]  }
0x91: {  	s18 =	sld [smem:$0x3FD0];
	(tm) =	ssettm $0x1  }
0x92: {  	s4 =	sld [smem:$0x3FFB];
	_ =	sdelay $0x3  }
0x93: {  	_ =	strace s4  }
0x94: {  	s4 =	sld [smem:$0x3FFC];
	_ =	sdelay $0x3  }
0x95: {  	_ =	strace s4  }
0x96: {  	s4 =	sld [smem:$0x3FFD];
	_ =	sdelay $0x3  }
0x97: {  	_ =	strace s4  }
0x98: {  	_ =	strace $0x8FFFFFFF  }
0x99: {  	s19 =	sld [smem:$0x3FDB];
	_ =	sdelay $0x1  }
0x9a: {  	s5 =	simm.s32 $_scs_section_size  }
0x9b: {  	s6 =	simm.s32 $_size__tile_overlayer_lowered;
	s7 =	simm.s32 $_tile_overlayer_lowered  }
0x9c: {  	s22 =	simm.s32 $0x1BFF;
	s21 =	sshll.u32 s7, $0x1;
	s4 =	sadd.s32 s5, s19  }
0x9d: {  	s8 =	simm.s32 $0x0;
	s20 =	sshll.u32 s6, $0x1;
	s6 =	sadd.s32 s21, s4  }
0x9e: {  	[timem:s8], [sflag:s22] =	dma.local [hbm:s6], s20  }
0x9f: {  	_ =	swait.ge [sflag:s22], s20  }
0xa0: {  	s5 =	ssub.s32 $0x0, s20;
	[sflag:s22] =	ssyncset.done $0x0  }
0xa1: {  	[sflag:s22] =	ssyncadd.s32 s5;
	_ =	sdelay $0x1  }
0xa2: {  	s23 =	simm.s32 $0x1B8B  }
0xa3: {  	_ =	swait.ge [sflag:s23], $0x1  }
0xa4: {  	[sflag:s23] =	ssyncset.done $0x0  }
0xa5: {  	s25 =	simm.s32 $0x1B8E;
	s24 =	sld [smem:$0x3FFE];
	[sflag:s23] =	ssyncadd.s32 $0xFFFFFFFF  }
0xa6: {  	s26 =	simm.s32 $execute0_lowered;
	[smem:$0x3FD2] =	sst s25  }
0xa7: {  	s6 =	sshll.u32 s26, $0x1;
	_ =	strace $0x80000046;
	[dreg:$0x1] =	wrdreg $0xFFFFFFFF  }
0xa8: {  	s28 =	simm.s32 $_size_execute0_lowered;
	s4 =	sadd.s32 s4, s6;
	[dreg:$0x0] =	wrdreg $0x0  }
0xa9: {  	s6 =	sshll.u32 s28, $0x1;
	[dreg:$0x2] =	wrdreg s4  }
0xaa: {  	[dreg:$0x3] =	wrdreg s6  }
0xab: {  	[dreg:$0x4] =	wrdreg $0xC0  }
0xac: {  	_ =	task [dreg:s8], $0x5FFFF  }
0xad: {  	[dreg:$0x1] =	wrdreg $0xFFFFFFFF  }
0xae: {  	[dreg:$0x0] =	wrdreg $0x60  }
0xaf: {  	[dreg:$0x2] =	wrdreg s24  }
0xb0: {  	[dreg:$0x3] =	wrdreg s2  }
0xb1: {  	[dreg:$0x4] =	wrdreg s18  }
0xb2: {  	[dreg:$0x5] =	wrdreg $0x9  }
0xb3: {  	_ =	task.clear_ibuf [dreg:s8], $0x6FFFF;
	_ =	strace $0x90000046  }
0xb4: {  	s29 =	simm.s32 $0x9;
	_ =	strace $0x80000048  }
0xb5: {  	_ =	swait.ge [sflag:s29], $0x1  }
0xb6: {  	[sflag:s29] =	ssyncadd.s32 $0xFFFFFFFF  }
0xb7: {  	_ =	strace $0x90000048  }
0xb8: {  	_ =	sfence  }
0xb9: {  	s30 =	sld [smem:$0x0];
	_ =	sdelay $0x2  }
0xba: {  	s31 =	sshll.u32 s1, $0xD;
	s1 =	sshrl.u32 s1, $0x2  }
0xbb: {  	s3 =	sand.u32 $0x4000, s31;
	s1 =	sadd.s32 s1, s30  }
0xbc: {  	s0 =	sor.u32 s3, s0;
	s1 =	sshll.u32 s1, $0x11  }
0xbd: {  	s0 =	sor.u32 s1, s0  }
0xbe: {  	s0 =	sadd.s32 $0x8F2B, s0  }
0xbf: {  	[sflag:s0] =	ssyncadd.remote.s32 $0x1  }
0xc0: {  	_ =	sfence.sel $0xFFFF  }
0xc1: {  	[dreg:$0x0] =	wrdreg $0xFFFFFFFF;
	(pc) =	sbr.abs _section_cstart, $3  }
0xc2: {  	[dreg:$0x1] =	wrdreg $0xFFFFFFFF  }
0xc3: {  	_ =	task.clear_ibuf [dreg:s8], $0x2FFFF;
	_ =	strace $0x9FFFFFFF  }
0xc4: {  	(tm) =	ssettm $0x7FFFFFFF  }
0xc5: {  	_ =	shalt  }
tec
execute0_lowered:
.L_overlay_start_1:
0x0: {  	(tag) =	ssettag $0x1  }
0x1: {  	s1 =	rddreg [dreg:$0x0]  }
0x2: {  	s0 =	srdreg.scid;
	s2 =	rddreg [dreg:$0x1]  }
0x3: {  	s8 =	stileid.u32;
	s9 =	rddreg [dreg:$0x2]  }
0x4: {  	s4 =	simm.s32 $0x0;
	s29 =	simm.s32 $0xB;
	s18 =	smul.u32 $0x190000, s8  }
0x5: {  	s0 =	sand.u32 $0x1, s0;
	s3 =	sshll.u32 s8, $0x1;
	s23 =	smul.u32 $0x32000, s8  }
0x6: {  	s30 =	simm.s32 $0xC;
	s3 =	sor.u32 s0, s3;
	s21 =	smul.u32 $0xC8000, s0  }
0x7: {  	s31 =	simm.s32 $0xD;
	[smem:$0x7FF] =	sst s4;
	s5 =	smul.u32 $0x680, s3  }
0x8: {  	s8 =	simm.s32 $0x15400;
	s7 =	ssub.s32 $0x2, s0;
	s6 =	smul.u32 $0x19000, s3  }
0x9: {  	_ =	strace $0x80000047;
	s3 =	smul.u32 $0xC8000, s3;
	s28 =	sshrl.u32 s7, $0x1  }
0xa: {  	s0 =	smul.u32 $0x19000, s0;
	s1 =	sadd.s32 s5, s1;
	s5 =	ssub.s32 s7, s28  }
0xb: {  	s10 =	sadd.s32 s9, s6;
	s3 =	sshrl.u32 s3, $0x3;
	s6 =	simm.s32 $0x13400  }
0xc: {  	s7 =	simm.s32 $0x2;
	s1 =	sadd.s32 $0x400, s1;
	[dreg:$0x4] =	wrdreg s10  }
0xd: {  	s11 =	sadd.s32 $0x400, s10;
	s12 =	sadd.s32 s9, s3;
	[dreg:$0x5] =	wrdreg s1  }
0xe: {  	s13 =	sadd.s32 $0x800, s10;
	s14 =	sadd.s32 $0xC00, s10;
	[dreg:$0x6] =	wrdreg s11  }
0xf: {  	s22 =	smax.u32 s5, $0x1;
	s24 =	sadd.s32 $0x17400, s10;
	[dreg:$0x7] =	wrdreg s13  }
0x10: {  	s3 =	sadd.s32 s21, s18;
	s25 =	sadd.s32 $0x17C00, s10;
	[dreg:$0x8] =	wrdreg s14  }
0x11: {  	s9 =	simm.s32 $0x3;
	s5 =	simm.s32 $0x7;
	[dreg:$0xf] =	wrdreg s22  }
0x12: {  	s15 =	sadd.s32 $0x1000, s12;
	s16 =	sadd.s32 $0x1400, s12;
	[dreg:$0x10] =	wrdreg s24  }
0x13: {  	s17 =	sadd.s32 $0x1800, s12;
	s19 =	sadd.s32 $0x1C00, s12;
	[dreg:$0x11] =	wrdreg s25  }
0x14: {  	s20 =	sadd.s32 $0x2000, s12;
	s1 =	sadd.s32 $0x2400, s12;
	[dreg:$0x9] =	wrdreg s15  }
0x15: {  	s26 =	sadd.s32 $0x26000, s3;
	s28 =	sadd.s32 $0x24000, s3;
	[dreg:$0xa] =	wrdreg s16  }
0x16: {  	s24 =	simm.s32 $0x40;
	s13 =	simm.s32 $0x5;
	[dreg:$0xb] =	wrdreg s17  }
.Ltmp0:
0x17: {  	s11 =	simm.s32 $0x9;
	[dreg:$0xc] =	wrdreg s19;
	(pc) =	sbr.rel .LBB2_1-.Ltmp0, $4  }
0x18: {  	s12 =	simm.s32 $0x13;
	s14 =	simm.s32 $0x14;
	[dreg:$0xd] =	wrdreg s20  }
0x19: {  	s3 =	simm.s32 $0x0;
	[dreg:$0xe] =	wrdreg s1;
	s19 =	sadd.s32 $0x18400, s10  }
0x1a: {  	s20 =	sadd.s32 s0, s23;
	s21 =	sshrl.u32 s26, $0x3;
	s22 =	sshrl.u32 s28, $0x3  }
0x1b: {  	s26 =	simm.s32 $0x1;
	s1 =	simm.s32 $0xA;
	s10 =	simm.s32 $0x12  }
.LBB2_4:
0x1c: {  	s29 =	simm.s32 $0xB  }
0x1d: {  	_ =	swait.ge [sflag:s29], $0x2000  }
0x1e: {  	[sflag:s29] =	ssyncset.done $0x0  }
0x1f: {  	s30 =	simm.s32 $0xC;
	[sflag:s29] =	ssyncadd.s32 $0xFFFFE000  }
0x20: {  	_ =	swait.ge [sflag:s30], $0x2000  }
0x21: {  	[sflag:s30] =	ssyncset.done $0x0  }
0x22: {  	s31 =	simm.s32 $0xD;
	[sflag:s30] =	ssyncadd.s32 $0xFFFFE000  }
0x23: {  	_ =	swait.ge [sflag:s31], $0x2000  }
0x24: {  	[sflag:s31] =	ssyncset.done $0x0  }
0x25: {  	s0 =	simm.s32 $0xE;
	[sflag:s31] =	ssyncadd.s32 $0xFFFFE000  }
0x26: {  	_ =	swait.ge [sflag:s0], $0x2000  }
0x27: {  	[sflag:s0] =	ssyncset.done $0x0  }
0x28: {  	s18 =	simm.s32 $0xF;
	[sflag:s0] =	ssyncadd.s32 $0xFFFFE000  }
0x29: {  	_ =	swait.ge [sflag:s18], $0x2000  }
0x2a: {  	[sflag:s18] =	ssyncset.done $0x0  }
0x2b: {  	s23 =	simm.s32 $0x10;
	[sflag:s18] =	ssyncadd.s32 $0xFFFFE000  }
0x2c: {  	_ =	swait.ge [sflag:s23], $0x2000  }
0x2d: {  	[sflag:s23] =	ssyncset.done $0x0  }
0x2e: {  	s25 =	simm.s32 $0x11;
	[sflag:s23] =	ssyncadd.s32 $0xFFFFE000  }
0x2f: {  	_ =	swait.ge [sflag:s25], $0x2000  }
0x30: {  	[sflag:s25] =	ssyncset.done $0x0  }
0x31: {  	[sflag:s25] =	ssyncadd.s32 $0xFFFFE000  }
0x32: {  	_ =	swait.ge [sflag:s10], $0x2000  }
0x33: {  	[sflag:s10] =	ssyncset.done $0x0  }
0x34: {  	[sflag:s10] =	ssyncadd.s32 $0xFFFFE000  }
0x35: {  	_ =	swait.ge [sflag:s12], $0x2000  }
0x36: {  	[sflag:s12] =	ssyncset.done $0x0  }
0x37: {  	[sflag:s12] =	ssyncadd.s32 $0xFFFFE000  }
0x38: {  	_ =	swait.ge [sflag:s14], $0x2000  }
0x39: {  	s3 =	rddreg [dreg:$0x12]  }
0x3a: {  	s28 =	rddreg [dreg:$0xf];
	s3 =	sadd.s32 $0x1, s3  }
0x3b: {  	p0 =	sne.s32 s3, s28  }
.Ltmp1:
0x3c: {  	_ = 	snop;
	(pc) =	sbr.rel @!p0 .LBB2_5-.Ltmp1, $3  }
0x3d: {  	_ =	sdelay $0x1  }
0x3e: {  	[sflag:s14] =	ssyncset.done $0x0  }
0x3f: {  	[sflag:s14] =	ssyncadd.s32 $0xFFFFE000  }
.LBB2_1:
0x40: {  	[dreg:$0x12] =	wrdreg s3  }
0x41: {  	s0 =	rddreg [dreg:$0x5];
	s15 =	simm.s32 $0x15  }
0x42: {  	[tilespmem:s4], [sflag:$0x15] =	stream.linear.gather [hbm4b:s0+s4], $0x3200, $0x38;
	[tilespmem:$0x17400] =	vst v63  }
0x43: {  	_ =	swait.ge [sflag:s15], $0x3200  }
0x44: {  	[sflag:s15] =	ssyncset.done $0x0  }
0x45: {  	s3 =	simm.s32 $0x3400;
	[sflag:s15] =	ssyncadd.s32 $0xFFFFCE00  }
0x46: {  	[tilespmem:s3], [sflag:$0x1] =	stream.indirect.gather [hbm4b:s2+s24], $0x80, s4, s24, $0xb8;
	[tilespmem:$0x17400] =	vst v63  }
0x47: {  	s16 =	simm.s32 $0x80;
	s15 =	simm.s32 $0x5400  }
0x48: {  	[tilespmem:s15], [sflag:$0x2] =	stream.indirect.gather [hbm4b:s2+s24], $0x80, s16, s24, $0xb8;
	[tilespmem:$0x17400] =	vst v63  }
0x49: {  	s17 =	simm.s32 $0x100;
	s16 =	simm.s32 $0x7400  }
0x4a: {  	[tilespmem:s16], [sflag:$0x3] =	stream.indirect.gather [hbm4b:s2+s24], $0x80, s17, s24, $0xb8;
	[tilespmem:$0x17400] =	vst v63  }
0x4b: {  	s23 =	simm.s32 $0x180;
	s17 =	simm.s32 $0x9400  }
0x4c: {  	[tilespmem:s17], [sflag:$0x4] =	stream.indirect.gather [hbm4b:s2+s24], $0x80, s23, s24, $0xb8;
	[tilespmem:$0x17400] =	vst v63  }
0x4d: {  	s28 =	simm.s32 $0x200;
	s23 =	simm.s32 $0xB400  }
0x4e: {  	[tilespmem:s23], [sflag:$0x5] =	stream.indirect.gather [hbm4b:s2+s24], $0x80, s28, s24, $0xb8;
	[tilespmem:$0x17400] =	vst v63  }
0x4f: {  	s0 =	simm.s32 $0x280;
	s28 =	simm.s32 $0xD400  }
0x50: {  	[tilespmem:s28], [sflag:$0x6] =	stream.indirect.gather [hbm4b:s2+s24], $0x80, s0, s24, $0xb8;
	[tilespmem:$0x17400] =	vst v63  }
0x51: {  	s0 =	simm.s32 $0x300;
	s28 =	simm.s32 $0xF400  }
0x52: {  	[tilespmem:s28], [sflag:$0x7] =	stream.indirect.gather [hbm4b:s2+s24], $0x80, s0, s24, $0xb8;
	[tilespmem:$0x17400] =	vst v63  }
0x53: {  	s0 =	simm.s32 $0x380;
	s28 =	simm.s32 $0x11400  }
0x54: {  	[tilespmem:s28], [sflag:$0x8] =	stream.indirect.gather [hbm4b:s2+s24], $0x80, s0, s24, $0xb8;
	[tilespmem:$0x17400] =	vst v63  }
0x55: {  	_ =	swait.ge [sflag:s26], $0x2000  }
0x56: {  	[sflag:s26] =	ssyncset.done $0x0  }
0x57: {  	s0 =	rddreg [dreg:$0x4];
	[sflag:s26] =	ssyncadd.s32 $0xFFFFE000  }
0x58: {  	[hbm4b:s0+s4] =	stream.linear.scatter [tilespmem:s3], [sflag:$0xB], $0x2000, $0x38;
	[tilespmem:$0x17400] =	vst v63  }
0x59: {  	s0 =	simm.s32 $0x400  }
0x5a: {  	[tilespmem:s6], [sflag:$0x9] =	stream.indirect.gather [hbm4b:s2+s24], $0x80, s0, s24, $0xb8;
	[tilespmem:$0x17400] =	vst v63  }
0x5b: {  	_ =	swait.ge [sflag:s7], $0x2000  }
0x5c: {  	[sflag:s7] =	ssyncset.done $0x0  }
0x5d: {  	s0 =	rddreg [dreg:$0x6];
	[sflag:s7] =	ssyncadd.s32 $0xFFFFE000  }
0x5e: {  	[hbm4b:s0+s4] =	stream.linear.scatter [tilespmem:s15], [sflag:$0xC], $0x2000, $0x38;
	[tilespmem:$0x17400] =	vst v63  }
0x5f: {  	s0 =	simm.s32 $0x480  }
0x60: {  	[tilespmem:s8], [sflag:$0xA] =	stream.indirect.gather [hbm4b:s2+s24], $0x80, s0, s24, $0xb8;
	[tilespmem:$0x17400] =	vst v63  }
0x61: {  	_ =	swait.ge [sflag:s9], $0x2000  }
0x62: {  	[sflag:s9] =	ssyncset.done $0x0  }
0x63: {  	s0 =	rddreg [dreg:$0x7];
	[sflag:s9] =	ssyncadd.s32 $0xFFFFE000  }
0x64: {  	[hbm4b:s0+s4] =	stream.linear.scatter [tilespmem:s16], [sflag:$0xD], $0x2000, $0x38;
	[tilespmem:$0x17400] =	vst v63  }
0x65: {  	_ =	swait.ge [sflag:s29], $0x2000  }
0x66: {  	[sflag:s29] =	ssyncset.done $0x0  }
0x67: {  	s0 =	simm.s32 $0x500;
	[sflag:s29] =	ssyncadd.s32 $0xFFFFE000  }
0x68: {  	[tilespmem:s3], [sflag:$0x1] =	stream.indirect.gather [hbm4b:s2+s24], $0x80, s0, s24, $0xb8;
	[tilespmem:$0x17400] =	vst v63  }
0x69: {  	s3 =	simm.s32 $0x4  }
0x6a: {  	_ =	swait.ge [sflag:s3], $0x2000  }
0x6b: {  	[sflag:s3] =	ssyncset.done $0x0  }
0x6c: {  	[sflag:s3] =	ssyncadd.s32 $0xFFFFE000;
	s3 =	rddreg [dreg:$0x8]  }
0x6d: {  	[hbm4b:s3+s4] =	stream.linear.scatter [tilespmem:s17], [sflag:$0xE], $0x2000, $0x38;
	[tilespmem:$0x17400] =	vst v63  }
0x6e: {  	_ =	swait.ge [sflag:s30], $0x2000  }
0x6f: {  	[sflag:s30] =	ssyncset.done $0x0  }
0x70: {  	s3 =	simm.s32 $0x580;
	[sflag:s30] =	ssyncadd.s32 $0xFFFFE000  }
0x71: {  	[tilespmem:s15], [sflag:$0x2] =	stream.indirect.gather [hbm4b:s2+s24], $0x80, s3, s24, $0xb8;
	[tilespmem:$0x17400] =	vst v63  }
0x72: {  	_ =	swait.ge [sflag:s13], $0x2000  }
0x73: {  	[sflag:s13] =	ssyncset.done $0x0  }
0x74: {  	s15 =	rddreg [dreg:$0x9];
	[sflag:s13] =	ssyncadd.s32 $0xFFFFE000  }
0x75: {  	[hbm4b:s15+s4] =	stream.linear.scatter [tilespmem:s23], [sflag:$0xF], $0x2000, $0x38;
	[tilespmem:$0x17400] =	vst v63  }
0x76: {  	_ =	swait.ge [sflag:s31], $0x2000  }
0x77: {  	[sflag:s31] =	ssyncset.done $0x0  }
0x78: {  	s30 =	simm.s32 $0x600;
	[sflag:s31] =	ssyncadd.s32 $0xFFFFE000;
	s31 =	simm.s32 $0x6  }
0x79: {  	[tilespmem:s16], [sflag:$0x3] =	stream.indirect.gather [hbm4b:s2+s24], $0x80, s30, s24, $0xb8;
	[tilespmem:$0x17400] =	vst v63  }
0x7a: {  	_ =	swait.ge [sflag:s31], $0x2000  }
0x7b: {  	s18 =	simm.s32 $0xE;
	[sflag:s31] =	ssyncset.done $0x0  }
0x7c: {  	s15 =	simm.s32 $0xD400;
	s3 =	rddreg [dreg:$0xa];
	[sflag:s31] =	ssyncadd.s32 $0xFFFFE000  }
0x7d: {  	[hbm4b:s3+s4] =	stream.linear.scatter [tilespmem:s15], [sflag:$0x10], $0x2000, $0x38;
	[tilespmem:$0x17400] =	vst v63  }
0x7e: {  	_ =	swait.ge [sflag:s18], $0x2000  }
0x7f: {  	[sflag:s18] =	ssyncset.done $0x0  }
0x80: {  	s16 =	simm.s32 $0x680;
	[sflag:s18] =	ssyncadd.s32 $0xFFFFE000  }
0x81: {  	[tilespmem:s17], [sflag:$0x4] =	stream.indirect.gather [hbm4b:s2+s24], $0x80, s16, s24, $0xb8;
	[tilespmem:$0x17400] =	vst v63  }
0x82: {  	_ =	swait.ge [sflag:s5], $0x2000  }
0x83: {  	s25 =	simm.s32 $0xF;
	[sflag:s5] =	ssyncset.done $0x0  }
0x84: {  	s3 =	simm.s32 $0xF400;
	s18 =	rddreg [dreg:$0xb];
	[sflag:s5] =	ssyncadd.s32 $0xFFFFE000  }
0x85: {  	[hbm4b:s18+s4] =	stream.linear.scatter [tilespmem:s3], [sflag:$0x11], $0x2000, $0x38;
	[tilespmem:$0x17400] =	vst v63  }
0x86: {  	_ =	swait.ge [sflag:s25], $0x2000  }
0x87: {  	[sflag:s25] =	ssyncset.done $0x0  }
0x88: {  	s30 =	simm.s32 $0x8;
	[sflag:s25] =	ssyncadd.s32 $0xFFFFE000;
	s25 =	simm.s32 $0x700  }
0x89: {  	[tilespmem:s23], [sflag:$0x5] =	stream.indirect.gather [hbm4b:s2+s24], $0x80, s25, s24, $0xb8;
	[tilespmem:$0x17400] =	vst v63  }
0x8a: {  	_ =	swait.ge [sflag:s30], $0x2000  }
0x8b: {  	s28 =	simm.s32 $0x11400;
	[sflag:s30] =	ssyncset.done $0x0  }
0x8c: {  	s16 =	simm.s32 $0x10;
	s31 =	rddreg [dreg:$0xc];
	[sflag:s30] =	ssyncadd.s32 $0xFFFFE000  }
0x8d: {  	[hbm4b:s31+s4] =	stream.linear.scatter [tilespmem:s28], [sflag:$0x12], $0x2000, $0x38;
	[tilespmem:$0x17400] =	vst v63  }
0x8e: {  	_ =	swait.ge [sflag:s16], $0x2000  }
0x8f: {  	[sflag:s16] =	ssyncset.done $0x0  }
0x90: {  	s17 =	simm.s32 $0x780;
	[sflag:s16] =	ssyncadd.s32 $0xFFFFE000  }
0x91: {  	[tilespmem:s15], [sflag:$0x6] =	stream.indirect.gather [hbm4b:s2+s24], $0x80, s17, s24, $0xb8;
	[tilespmem:$0x17400] =	vst v63  }
0x92: {  	_ =	swait.ge [sflag:s11], $0x2000  }
0x93: {  	[sflag:s11] =	ssyncset.done $0x0  }
0x94: {  	s23 =	simm.s32 $0x11;
	s18 =	rddreg [dreg:$0xd];
	[sflag:s11] =	ssyncadd.s32 $0xFFFFE000  }
0x95: {  	[hbm4b:s18+s4] =	stream.linear.scatter [tilespmem:s6], [sflag:$0x13], $0x2000, $0x38;
	[tilespmem:$0x17400] =	vst v63  }
0x96: {  	_ =	swait.ge [sflag:s23], $0x2000  }
0x97: {  	[sflag:s23] =	ssyncset.done $0x0  }
0x98: {  	s25 =	simm.s32 $0x800;
	[sflag:s23] =	ssyncadd.s32 $0xFFFFE000  }
0x99: {  	[tilespmem:s3], [sflag:$0x7] =	stream.indirect.gather [hbm4b:s2+s24], $0x80, s25, s24, $0xb8;
	[tilespmem:$0x17400] =	vst v63  }
0x9a: {  	_ =	swait.ge [sflag:s1], $0x2000  }
0x9b: {  	[sflag:s1] =	ssyncset.done $0x0  }
0x9c: {  	s30 =	rddreg [dreg:$0xe];
	[sflag:s1] =	ssyncadd.s32 $0xFFFFE000  }
0x9d: {  	[hbm4b:s30+s4] =	stream.linear.scatter [tilespmem:s8], [sflag:$0x14], $0x2000, $0x38;
	[tilespmem:$0x17400] =	vst v63  }
0x9e: {  	_ =	swait.ge [sflag:s10], $0x2000  }
0x9f: {  	[sflag:s10] =	ssyncset.done $0x0  }
0xa0: {  	s31 =	simm.s32 $0x880;
	[sflag:s10] =	ssyncadd.s32 $0xFFFFE000  }
0xa1: {  	[tilespmem:s28], [sflag:$0x8] =	stream.indirect.gather [hbm4b:s2+s24], $0x80, s31, s24, $0xb8;
	[tilespmem:$0x17400] =	vst v63  }
0xa2: {  	s29 =	simm.s32 $0x0;
	s23 =	rddreg [dreg:$0x2]  }
.LBB2_2:
0xa3: {  	_ =	swait.ge [sflag:s26], $0x2000  }
0xa4: {  	s16 =	sadd.s32 s23, s20;
	[sflag:s26] =	ssyncset.done $0x0  }
0xa5: {  	s0 =	simm.s32 $0x3400;
	s3 =	sadd.s32 $0x2800, s16;
	[sflag:s26] =	ssyncadd.s32 $0xFFFFE000  }
0xa6: {  	[hbm4b:s3+s4] =	stream.linear.scatter [tilespmem:s0], [sflag:$0xB], $0x2000, $0x38;
	[tilespmem:$0x17400] =	vst v63  }
0xa7: {  	_ =	swait.ge [sflag:s12], $0x2000  }
0xa8: {  	s15 =	sshra.s32 s29, $0x2;
	[sflag:s12] =	ssyncset.done $0x0  }
0xa9: {  	s17 =	sadd.s32 $0x900, s15;
	[sflag:s12] =	ssyncadd.s32 $0xFFFFE000  }
0xaa: {  	[tilespmem:s6], [sflag:$0x9] =	stream.indirect.gather [hbm4b:s2+s24], $0x80, s17, s24, $0xb8;
	[tilespmem:$0x17400] =	vst v63  }
0xab: {  	_ =	swait.ge [sflag:s7], $0x2000  }
0xac: {  	[sflag:s7] =	ssyncset.done $0x0  }
0xad: {  	s25 =	simm.s32 $0x5400;
	s18 =	sadd.s32 $0x2C00, s16;
	[sflag:s7] =	ssyncadd.s32 $0xFFFFE000  }
0xae: {  	[hbm4b:s18+s4] =	stream.linear.scatter [tilespmem:s25], [sflag:$0xC], $0x2000, $0x38;
	[tilespmem:$0x17400] =	vst v63  }
0xaf: {  	_ =	swait.ge [sflag:s14], $0x2000  }
0xb0: {  	[sflag:s14] =	ssyncset.done $0x0  }
0xb1: {  	s28 =	sadd.s32 $0x980, s15;
	[sflag:s14] =	ssyncadd.s32 $0xFFFFE000  }
0xb2: {  	[tilespmem:s8], [sflag:$0xA] =	stream.indirect.gather [hbm4b:s2+s24], $0x80, s28, s24, $0xb8;
	[tilespmem:$0x17400] =	vst v63  }
0xb3: {  	_ =	swait.ge [sflag:s9], $0x2000  }
0xb4: {  	s31 =	simm.s32 $0x7400;
	p0 =	seq.s32 s29, $0xA000;
	[sflag:s9] =	ssyncset.done $0x0  }
0xb5: {  	s30 =	sadd.s32 $0x3000, s16;
	s3 =	simm.s32 @p0 $0x4;
	[sflag:s9] =	ssyncadd.s32 $0xFFFFE000  }
0xb6: {  	[hbm4b:s30+s4] =	stream.linear.scatter [tilespmem:s31], [sflag:$0xD], $0x2000, $0x38;
	[tilespmem:$0x17400] =	vst v63  }
0xb7: {  	_ =	swait.ge @p0 [sflag:s3], $0x2000  }
0xb8: {  	s30 =	simm.s32 @p0 $0x0;
	[sflag:s3] =	ssyncset.done @p0 $0x0  }
0xb9: {  	s0 =	rddreg [dreg:$0x10];
	[sflag:s3] =	ssyncadd.s32 @p0 $0xFFFFE000;
	s3 =	simm.s32 @p0 $0x9400  }
0xba: {  	[hbm4b:s0+s30] =	stream.linear.scatter @p0 [tilespmem:s3], [sflag:$0xE], $0x2000, $0x38;
	[tilespmem:$0x17400] =	vst v63  }
0xbb: {  	s3 =	simm.s32 @!p0 $0xB  }
0xbc: {  	_ =	swait.ge @!p0 [sflag:s3], $0x2000  }
0xbd: {  	s25 =	sshra.s32 @!p0 s29, $0x2;
	s28 =	simm.s32 @!p0 $0x40;
	[sflag:s3] =	ssyncset.done @!p0 $0x0  }
0xbe: {  	s31 =	simm.s32 @!p0 $0x3400;
	[sflag:s3] =	ssyncadd.s32 @!p0 $0xFFFFE000;
	s3 =	sadd.s32 @!p0 $0xA00, s25  }
0xbf: {  	[tilespmem:s31], [sflag:$0x1] =	stream.indirect.gather @!p0 [hbm4b:s2+s28], $0x80, s3, s28, $0xb8;
	[tilespmem:$0x17400] =	vst v63  }
0xc0: {  	s3 =	simm.s32 @!p0 $0x4  }
0xc1: {  	_ =	swait.ge @!p0 [sflag:s3], $0x2000  }
0xc2: {  	s17 =	simm.s32 @!p0 $0x9400;
	s31 =	sadd.s32 @!p0 s23, s20;
	[sflag:s3] =	ssyncset.done @!p0 $0x0  }
0xc3: {  	s0 =	sadd.s32 @!p0 $0x3400, s31;
	[sflag:s3] =	ssyncadd.s32 @!p0 $0xFFFFE000;
	s3 =	simm.s32 @!p0 $0x0  }
0xc4: {  	[hbm4b:s0+s3] =	stream.linear.scatter @!p0 [tilespmem:s17], [sflag:$0xE], $0x2000, $0x38;
	[tilespmem:$0x17400] =	vst v63  }
0xc5: {  	s0 =	simm.s32 @!p0 $0xC  }
0xc6: {  	_ =	swait.ge @!p0 [sflag:s0], $0x2000  }
0xc7: {  	[sflag:s0] =	ssyncset.done @!p0 $0x0  }
0xc8: {  	s18 =	simm.s32 @!p0 $0x5400;
	[sflag:s0] =	ssyncadd.s32 @!p0 $0xFFFFE000;
	s0 =	sadd.s32 @!p0 $0xA80, s25  }
0xc9: {  	[tilespmem:s18], [sflag:$0x2] =	stream.indirect.gather @!p0 [hbm4b:s2+s28], $0x80, s0, s28, $0xb8;
	[tilespmem:$0x17400] =	vst v63  }
0xca: {  	_ =	swait.ge [sflag:s13], $0x2000  }
0xcb: {  	[sflag:s13] =	ssyncset.done $0x0  }
0xcc: {  	s0 =	sadd.s32 $0x3800, s16;
	s18 =	simm.s32 $0xB400;
	[sflag:s13] =	ssyncadd.s32 $0xFFFFE000  }
0xcd: {  	[hbm4b:s0+s4] =	stream.linear.scatter [tilespmem:s18], [sflag:$0xF], $0x2000, $0x38;
	[tilespmem:$0x17400] =	vst v63  }
0xce: {  	s0 =	simm.s32 @p0 $0x6  }
0xcf: {  	_ =	swait.ge @p0 [sflag:s0], $0x2000  }
0xd0: {  	[sflag:s0] =	ssyncset.done @p0 $0x0  }
0xd1: {  	s18 =	rddreg [dreg:$0x11];
	[sflag:s0] =	ssyncadd.s32 @p0 $0xFFFFE000;
	s0 =	simm.s32 @p0 $0xD400  }
0xd2: {  	[hbm4b:s18+s30] =	stream.linear.scatter @p0 [tilespmem:s0], [sflag:$0x10], $0x2000, $0x38;
	[tilespmem:$0x17400] =	vst v63  }
0xd3: {  	s0 =	simm.s32 @!p0 $0xD  }
0xd4: {  	_ =	swait.ge @!p0 [sflag:s0], $0x2000  }
0xd5: {  	[sflag:s0] =	ssyncset.done @!p0 $0x0  }
0xd6: {  	s18 =	simm.s32 @!p0 $0x7400;
	[sflag:s0] =	ssyncadd.s32 @!p0 $0xFFFFE000;
	s0 =	sadd.s32 @!p0 $0xB00, s25  }
0xd7: {  	[tilespmem:s18], [sflag:$0x3] =	stream.indirect.gather @!p0 [hbm4b:s2+s28], $0x80, s0, s28, $0xb8;
	[tilespmem:$0x17400] =	vst v63  }
0xd8: {  	s0 =	simm.s32 @!p0 $0x6  }
0xd9: {  	_ =	swait.ge @!p0 [sflag:s0], $0x2000  }
0xda: {  	[sflag:s0] =	ssyncset.done @!p0 $0x0  }
0xdb: {  	s18 =	simm.s32 @!p0 $0xD400;
	[sflag:s0] =	ssyncadd.s32 @!p0 $0xFFFFE000;
	s0 =	sadd.s32 @!p0 $0x3C00, s31  }
0xdc: {  	[hbm4b:s0+s3] =	stream.linear.scatter @!p0 [tilespmem:s18], [sflag:$0x10], $0x2000, $0x38;
	[tilespmem:$0x17400] =	vst v63  }
0xdd: {  	s0 =	simm.s32 @!p0 $0xE  }
0xde: {  	_ =	swait.ge @!p0 [sflag:s0], $0x2000  }
0xdf: {  	[sflag:s0] =	ssyncset.done @!p0 $0x0  }
0xe0: {  	[sflag:s0] =	ssyncadd.s32 @!p0 $0xFFFFE000;
	s0 =	sadd.s32 @!p0 $0xB80, s25  }
0xe1: {  	[tilespmem:s17], [sflag:$0x4] =	stream.indirect.gather @!p0 [hbm4b:s2+s28], $0x80, s0, s28, $0xb8;
	[tilespmem:$0x17400] =	vst v63  }
0xe2: {  	_ =	swait.ge [sflag:s5], $0x2000  }
0xe3: {  	s16 =	sadd.s32 $0x4000, s16;
	[sflag:s5] =	ssyncset.done $0x0  }
0xe4: {  	s17 =	simm.s32 $0xF400;
	s0 =	simm.s32 @p0 $0x8;
	[sflag:s5] =	ssyncadd.s32 $0xFFFFE000  }
0xe5: {  	[hbm4b:s16+s4] =	stream.linear.scatter [tilespmem:s17], [sflag:$0x11], $0x2000, $0x38;
	[tilespmem:$0x17400] =	vst v63  }
0xe6: {  	_ =	swait.ge @p0 [sflag:s0], $0x2000  }
0xe7: {  	[sflag:s0] =	ssyncset.done @p0 $0x0  }
0xe8: {  	[sflag:s0] =	ssyncadd.s32 @p0 $0xFFFFE000;
	s0 =	simm.s32 @p0 $0x11400  }
0xe9: {  	[hbm4b:s19+s30] =	stream.linear.scatter @p0 [tilespmem:s0], [sflag:$0x12], $0x2000, $0x38;
	[tilespmem:$0x17400] =	vst v63  }
0xea: {  	s0 =	simm.s32 @!p0 $0xF  }
0xeb: {  	_ =	swait.ge @!p0 [sflag:s0], $0x2000  }
0xec: {  	[sflag:s0] =	ssyncset.done @!p0 $0x0  }
0xed: {  	s16 =	simm.s32 @!p0 $0xB400;
	[sflag:s0] =	ssyncadd.s32 @!p0 $0xFFFFE000;
	s0 =	sadd.s32 @!p0 $0xC00, s25  }
0xee: {  	[tilespmem:s16], [sflag:$0x5] =	stream.indirect.gather @!p0 [hbm4b:s2+s28], $0x80, s0, s28, $0xb8;
	[tilespmem:$0x17400] =	vst v63  }
0xef: {  	s0 =	simm.s32 @!p0 $0x8  }
0xf0: {  	_ =	swait.ge @!p0 [sflag:s0], $0x2000  }
0xf1: {  	[sflag:s0] =	ssyncset.done @!p0 $0x0  }
0xf2: {  	s16 =	simm.s32 @!p0 $0x11400;
	[sflag:s0] =	ssyncadd.s32 @!p0 $0xFFFFE000;
	s0 =	sadd.s32 @!p0 $0x4400, s31  }
0xf3: {  	[hbm4b:s0+s3] =	stream.linear.scatter @!p0 [tilespmem:s16], [sflag:$0x12], $0x2000, $0x38;
	[tilespmem:$0x17400] =	vst v63  }
0xf4: {  	s0 =	simm.s32 @!p0 $0x10  }
0xf5: {  	_ =	swait.ge @!p0 [sflag:s0], $0x2000  }
0xf6: {  	[sflag:s0] =	ssyncset.done @!p0 $0x0  }
0xf7: {  	[sflag:s0] =	ssyncadd.s32 @!p0 $0xFFFFE000;
	s0 =	sadd.s32 @!p0 $0xC80, s25  }
0xf8: {  	[tilespmem:s18], [sflag:$0x6] =	stream.indirect.gather @!p0 [hbm4b:s2+s28], $0x80, s0, s28, $0xb8;
	[tilespmem:$0x17400] =	vst v63  }
0xf9: {  	_ =	swait.ge [sflag:s11], $0x2000  }
0xfa: {  	[sflag:s11] =	ssyncset.done $0x0  }
0xfb: {  	s30 =	sadd.s32 s23, s22;
	s0 =	simm.s32 @!p0 $0x11;
	[sflag:s11] =	ssyncadd.s32 $0xFFFFE000  }
0xfc: {  	[hbm4b:s30+s4] =	stream.linear.scatter [tilespmem:s6], [sflag:$0x13], $0x2000, $0x38;
	[tilespmem:$0x17400] =	vst v63  }
0xfd: {  	_ =	swait.ge @!p0 [sflag:s0], $0x2000  }
0xfe: {  	[sflag:s0] =	ssyncset.done @!p0 $0x0  }
0xff: {  	s3 =	simm.s32 @!p0 $0xF400;
	[sflag:s0] =	ssyncadd.s32 @!p0 $0xFFFFE000;
	s0 =	sadd.s32 @!p0 $0xD00, s25  }
0x100: {  	[tilespmem:s3], [sflag:$0x7] =	stream.indirect.gather @!p0 [hbm4b:s2+s28], $0x80, s0, s28, $0xb8;
	[tilespmem:$0x17400] =	vst v63  }
.Ltmp2:
0x101: {  	_ = 	snop;
	(pc) =	sbr.rel @p0 .LBB2_4-.Ltmp2, $4  }
0x102: {  	_ =	swait.ge [sflag:s1], $0x2000  }
0x103: {  	[sflag:s1] =	ssyncset.done $0x0  }
0x104: {  	s31 =	sadd.s32 s23, s21;
	[sflag:s1] =	ssyncadd.s32 $0xFFFFE000  }
0x105: {  	[hbm4b:s31+s4] =	stream.linear.scatter [tilespmem:s8], [sflag:$0x14], $0x2000, $0x38;
	[tilespmem:$0x17400] =	vst v63  }
.Ltmp3:
0x106: {  	(pc) =	sbr.rel .LBB2_2-.Ltmp3, $4  }
0x107: {  	_ =	swait.ge [sflag:s10], $0x2000  }
0x108: {  	s0 =	sadd.s32 $0xD80, s15;
	s3 =	simm.s32 $0x11400;
	[sflag:s10] =	ssyncset.done $0x0  }
0x109: {  	s29 =	sadd.s32 $0x1400, s29;
	s23 =	sadd.s32 $0x2800, s23;
	[sflag:s10] =	ssyncadd.s32 $0xFFFFE000  }
0x10a: {  	[tilespmem:s3], [sflag:$0x8] =	stream.indirect.gather [hbm4b:s2+s24], $0x80, s0, s24, $0xb8;
	[tilespmem:$0x17400] =	vst v63  }
.LBB2_5:
0x10b: {  	_ =	sfence.sel $0x180000  }
0x10c: {  	[bflag:$0x0] =	sbarrier.arrive $0xFFFF  }
0x10d: {  	_ =	strace $0x90000047  }
0x10e: {  	s0 =	stileid.u32;
	[bflag:$0x2] =	sbarrier.arrive $0xFFFF  }
0x10f: {  	p0 =	sne.s32 s0, $0x0;
	s0 =	rddreg [dreg:$0x3]  }
0x110: {  	s0 =	sadd.s32 @!p0 $0x100000, s0  }
0x111: {  	[sflag:s0] =	ssyncadd.tile.s32 @!p0 $0x1;
	_ =	shalt  }
.Lfunc_end2:
_tile_overlayer_lowered:
.L_overlay_start_2:
0x112: {  	(tag) =	ssettag $0x2  }
0x113: {  	s0 =	rddreg [dreg:$0x0];
	s2 =	stileid.u32  }
0x114: {  	s1 =	rddreg [dreg:$0x1];
	p0 =	sne.s32 s2, $0x0  }
0x115: {  	s3 =	rddreg [dreg:$0x2];
	[bflag:$0x3] =	sbarrier.arrive $0xFFFF;
	s2 =	simm.s32 @!p0 $0x1C15  }
0x116: {  	[timem:s3], [sflag:s2] =	dma.local @!p0 [hbm:s0], s1  }
0x117: {  	s0 =	simm.s32 @!p0 $0x15  }
0x118: {  	_ =	swait.ge @!p0 [sflag:s0], s1  }
0x119: {  	s1 =	ssub.s32 @!p0 $0x0, s1;
	[sflag:s0] =	ssyncset.done @!p0 $0x0  }
0x11a: {  	[sflag:s0] =	ssyncadd.s32 @!p0 s1  }
0x11b: {  	[bflag:$0x3] =	sbarrier.arrive $0xFFFF  }
0x11c: {  	_ =	shalt  }

</sc_bundles>
